<compile_context>
chip_gen: v7x
topology: tpu7x:2x2x1
jax: 0.10.2.dev20260603
libtpu: 0.0.44.dev20260713+nightly
codegen_flags: <defaults>
</compile_context>

<pallas_src>
import jax
import jax.numpy as jnp
from jax import lax
from jax.experimental import pallas as pl
from jax.experimental.pallas import tpu as pltpu
from jax.experimental.pallas import tpu_sc as plsc

_B = 4
_S = 8192
_D = 1024
_BTOT = _B * _S
_NC = 2
_NS = 16
_NW = _NC * _NS
_BPW = _BTOT // _NW
_CHUNK = 8
_NBUF = 8
_NCHUNK = _BPW // _CHUNK
_GROUPS = _NCHUNK // _NBUF


def _emb_gather(pos_hbm, table_hbm, out_hbm, idx_v, rows_v, *sems):
    cid = lax.axis_index("c")
    sid = lax.axis_index("s")
    wid = sid * _NC + cid
    base = wid * _BPW
    pltpu.sync_copy(pos_hbm.at[pl.ds(base, _BPW)], idx_v)
    gsems = sems[:_NBUF]
    osems = sems[_NBUF:]

    def _aligned(off):
        return off if isinstance(off, int) else pl.multiple_of(off, _CHUNK)

    def gather_desc(g, b):
        return pltpu.make_async_copy(
            table_hbm.at[idx_v.at[pl.ds(_aligned(g * _CHUNK), _CHUNK)]],
            rows_v.at[b],
            gsems[b],
        )

    def store_desc(g, b):
        return pltpu.make_async_copy(
            rows_v.at[b],
            out_hbm.at[pl.ds(_aligned(base + g * _CHUNK), _CHUNK)],
            osems[b],
        )

    for b in range(_NBUF):
        gather_desc(b, b).start()

    def body(j, carry):
        for b in range(_NBUF):
            g = j * _NBUF + b
            gather_desc(g, b).wait()
            store_desc(g, b).start()
        for b in range(_NBUF):
            g = j * _NBUF + b
            store_desc(g, b).wait()
            gather_desc(g + _NBUF, b).start()
        return carry

    lax.fori_loop(0, _GROUPS - 1, body, 0)

    j = _GROUPS - 1
    for b in range(_NBUF):
        g = j * _NBUF + b
        gather_desc(g, b).wait()
        store_desc(g, b).start()
    for b in range(_NBUF):
        g = j * _NBUF + b
        store_desc(g, b).wait()


@jax.jit
def kernel(positions, table):
    pos_flat = positions.reshape(_BTOT).astype(jnp.int32)
    mesh = plsc.VectorSubcoreMesh(core_axis_name="c", subcore_axis_name="s")
    out = pl.kernel(
        _emb_gather,
        mesh=mesh,
        out_type=jax.ShapeDtypeStruct((_BTOT, _D), jnp.float32),
        scratch_types=[
            pltpu.VMEM((_BPW,), jnp.int32),
            pltpu.VMEM((_NBUF, _CHUNK, _D), jnp.float32),
        ] + [pltpu.SemaphoreType.DMA] * (2 * _NBUF),
    )(pos_flat, table)
    return out.reshape(_B, _S, _D)

# --- scband reference (transcript-rebuilt; emitter-appended) ---
"""Pipeline reference for scband-learned-positional-embedding-46248207843641 (READ-ONLY COPY).

The authoritative reference and input builder live on the scoring server;
editing this copy changes nothing except your own understanding.
"""

import jax, jax.numpy as jnp
import numpy as np

NUM_EMBEDDINGS = 8192
EMBEDDING_DIM = 1024
BATCH = 4
SEQ_LEN = 8192


def setup_inputs(seed: int = 0) -> dict:
    key = jax.random.key(seed)
    k1, k2 = jax.random.split(key)
    positions = jax.random.randint(k1, (BATCH, SEQ_LEN), 0, NUM_EMBEDDINGS)
    # Learned positional embedding table, initialized N(0, embedding_dim**-0.5)
    # padding_idx is None in cfg, so num_embeddings = cfg.num_embeddings and no row is zeroed.
    table = jax.random.normal(k2, (NUM_EMBEDDINGS, EMBEDDING_DIM), dtype=jnp.float32) * (EMBEDDING_DIM ** -0.5)
    return {"positions": positions, "table": table}


def reference(positions, table):
    # Faithful translation of nn.Embedding lookup in LearnedPositionalEmbedding.forward:
    # out[b, s, :] = table[positions[b, s], :]
    return jnp.take(table, positions, axis=0)

if __name__ == "__main__":
    import jax
    _d = setup_inputs()
    print(jax.jit(kernel)(*tuple(_d.values())))

</pallas_src>

<mosaic_0001>
#map = affine_map<(d0, d1) -> (0)>
#map1 = affine_map<(d0, d1) -> (0, 0)>
module attributes {stable_mosaic.version = 14 : i64} {
  func.func @_emb_gather(%arg0: i32, %arg1: i32, %arg2: memref<32768xi32, #tpu.memory_space<hbm>>, %arg3: memref<8192x1024xf32, #tpu.memory_space<hbm>>, %arg4: memref<32768x1024xf32, #tpu.memory_space<hbm>>, %arg5: memref<1024xi32, #tpu.memory_space<vmem>>, %arg6: memref<8x8x1024xf32, #tpu.memory_space<vmem>>, %arg7: memref<!tpu.dma_semaphore, #tpu.memory_space<semaphore_mem>>, %arg8: memref<!tpu.dma_semaphore, #tpu.memory_space<semaphore_mem>>, %arg9: memref<!tpu.dma_semaphore, #tpu.memory_space<semaphore_mem>>, %arg10: memref<!tpu.dma_semaphore, #tpu.memory_space<semaphore_mem>>, %arg11: memref<!tpu.dma_semaphore, #tpu.memory_space<semaphore_mem>>, %arg12: memref<!tpu.dma_semaphore, #tpu.memory_space<semaphore_mem>>, %arg13: memref<!tpu.dma_semaphore, #tpu.memory_space<semaphore_mem>>, %arg14: memref<!tpu.dma_semaphore, #tpu.memory_space<semaphore_mem>>, %arg15: memref<!tpu.dma_semaphore, #tpu.memory_space<semaphore_mem>>, %arg16: memref<!tpu.dma_semaphore, #tpu.memory_space<semaphore_mem>>, %arg17: memref<!tpu.dma_semaphore, #tpu.memory_space<semaphore_mem>>, %arg18: memref<!tpu.dma_semaphore, #tpu.memory_space<semaphore_mem>>, %arg19: memref<!tpu.dma_semaphore, #tpu.memory_space<semaphore_mem>>, %arg20: memref<!tpu.dma_semaphore, #tpu.memory_space<semaphore_mem>>, %arg21: memref<!tpu.dma_semaphore, #tpu.memory_space<semaphore_mem>>, %arg22: memref<!tpu.dma_semaphore, #tpu.memory_space<semaphore_mem>>) attributes {dimension_semantics = [#tpu.dimension_semantics<core_parallel>, #tpu.dimension_semantics<subcore_parallel>], iteration_bounds = array<i64: 2, 16>, scalar_prefetch = 0 : i64, scratch_operands = 18 : i64, tpu.core_type = #tpu.core_type<sc_vector_subcore>, window_params = [{transform_indices = #map}, {transform_indices = #map1}, {transform_indices = #map1}]} {
    %mul3A = arith.constant 2 : i32
    %mul3A_0 = arith.muli %arg1, %mul3A : i32
    %add3A = arith.addi %mul3A_0, %arg0 : i32
    %mul3A_1 = arith.constant 1024 : i32
    %mul3A_2 = arith.muli %add3A, %mul3A_1 : i32
    "tpu.region"() ({
      %run_scoped3A = tpu.sem_alloc : memref<!tpu.dma_semaphore, #tpu.memory_space<semaphore_mem>>
      %dma_start3A_421 = tpu.memref_slice %arg2[%mul3A_2] : memref<32768xi32, #tpu.memory_space<hbm>> -> memref<1024xi32, #tpu.memory_space<hbm>>
      %dma_start3A_422 = tpu.memref_slice %arg2[%mul3A_2] : memref<32768xi32, #tpu.memory_space<hbm>> -> memref<1024xi32, #tpu.memory_space<hbm>>
      tpu.enqueue_dma source(%dma_start3A_422 : memref<1024xi32, #tpu.memory_space<hbm>>) target(%arg5 : memref<1024xi32, #tpu.memory_space<vmem>>) target_semaphore(%run_scoped3A : memref<!tpu.dma_semaphore, #tpu.memory_space<semaphore_mem>>)
      %dma_wait3A_423 = tpu.memref_slice %arg2[%mul3A_2] : memref<32768xi32, #tpu.memory_space<hbm>> -> memref<1024xi32, #tpu.memory_space<hbm>>
      %dma_wait3A_424 = tpu.memref_slice %arg2[%mul3A_2] : memref<32768xi32, #tpu.memory_space<hbm>> -> memref<1024xi32, #tpu.memory_space<hbm>>
      tpu.wait_dma2 semaphore(%run_scoped3A : memref<!tpu.dma_semaphore, #tpu.memory_space<semaphore_mem>>) src(%dma_wait3A_424 : memref<1024xi32, #tpu.memory_space<hbm>>) dst(%arg5 : memref<1024xi32, #tpu.memory_space<vmem>>)
      tpu.yield
    }) : () -> ()
    %dma_start3A = arith.constant 0 : i32
    %dma_start3A_3 = arith.constant 0 : i32
    %dma_start3A_4 = arith.constant 0 : i32
    %dma_start3A_5 = tpu.memref_slice %arg6[%dma_start3A, %dma_start3A_3, %dma_start3A_4] : memref<8x8x1024xf32, #tpu.memory_space<vmem>> -> memref<1x8x1024xf32, #tpu.memory_space<vmem>>
    %dma_start3A_6 = tpu.memref_squeeze %dma_start3A_5 : memref<1x8x1024xf32, #tpu.memory_space<vmem>> -> memref<8x1024xf32, #tpu.memory_space<vmem>>
    %dma_start3A_7 = arith.constant 0 : i32
    %dma_start3A_8 = tpu.memref_slice %arg5[%dma_start3A_7] : memref<1024xi32, #tpu.memory_space<vmem>> -> memref<8xi32, #tpu.memory_space<vmem>>
    %dma_start3A_9 = arith.constant 0 : i32
    %dma_start3A_10 = arith.constant 0 : i32
    %dma_start3A_11 = tpu.memref_slice %arg3[%dma_start3A_9, %dma_start3A_10] : memref<8192x1024xf32, #tpu.memory_space<hbm>> -> memref<8192x1024xf32, #tpu.memory_space<hbm>>
    tpu.enqueue_indirect_dma source(%dma_start3A_11 : memref<8192x1024xf32, #tpu.memory_space<hbm>>) target(%dma_start3A_6 : memref<8x1024xf32, #tpu.memory_space<vmem>>) offsets(%dma_start3A_8 : memref<8xi32, #tpu.memory_space<vmem>>) semaphore(%arg7 : memref<!tpu.dma_semaphore, #tpu.memory_space<semaphore_mem>>)
    %dma_start3A_12 = arith.constant 1 : i32
    %dma_start3A_13 = arith.constant 0 : i32
    %dma_start3A_14 = arith.constant 0 : i32
    %dma_start3A_15 = tpu.memref_slice %arg6[%dma_start3A_12, %dma_start3A_13, %dma_start3A_14] : memref<8x8x1024xf32, #tpu.memory_space<vmem>> -> memref<1x8x1024xf32, #tpu.memory_space<vmem>>
    %dma_start3A_16 = tpu.memref_squeeze %dma_start3A_15 : memref<1x8x1024xf32, #tpu.memory_space<vmem>> -> memref<8x1024xf32, #tpu.memory_space<vmem>>
    %dma_start3A_17 = arith.constant 8 : i32
    %dma_start3A_18 = tpu.memref_slice %arg5[%dma_start3A_17] : memref<1024xi32, #tpu.memory_space<vmem>> -> memref<8xi32, #tpu.memory_space<vmem>>
    %dma_start3A_19 = arith.constant 0 : i32
    %dma_start3A_20 = arith.constant 0 : i32
    %dma_start3A_21 = tpu.memref_slice %arg3[%dma_start3A_19, %dma_start3A_20] : memref<8192x1024xf32, #tpu.memory_space<hbm>> -> memref<8192x1024xf32, #tpu.memory_space<hbm>>
    tpu.enqueue_indirect_dma source(%dma_start3A_21 : memref<8192x1024xf32, #tpu.memory_space<hbm>>) target(%dma_start3A_16 : memref<8x1024xf32, #tpu.memory_space<vmem>>) offsets(%dma_start3A_18 : memref<8xi32, #tpu.memory_space<vmem>>) semaphore(%arg8 : memref<!tpu.dma_semaphore, #tpu.memory_space<semaphore_mem>>)
    %dma_start3A_22 = arith.constant 2 : i32
    %dma_start3A_23 = arith.constant 0 : i32
    %dma_start3A_24 = arith.constant 0 : i32
    %dma_start3A_25 = tpu.memref_slice %arg6[%dma_start3A_22, %dma_start3A_23, %dma_start3A_24] : memref<8x8x1024xf32, #tpu.memory_space<vmem>> -> memref<1x8x1024xf32, #tpu.memory_space<vmem>>
    %dma_start3A_26 = tpu.memref_squeeze %dma_start3A_25 : memref<1x8x1024xf32, #tpu.memory_space<vmem>> -> memref<8x1024xf32, #tpu.memory_space<vmem>>
    %dma_start3A_27 = arith.constant 16 : i32
    %dma_start3A_28 = tpu.memref_slice %arg5[%dma_start3A_27] : memref<1024xi32, #tpu.memory_space<vmem>> -> memref<8xi32, #tpu.memory_space<vmem>>
    %dma_start3A_29 = arith.constant 0 : i32
    %dma_start3A_30 = arith.constant 0 : i32
    %dma_start3A_31 = tpu.memref_slice %arg3[%dma_start3A_29, %dma_start3A_30] : memref<8192x1024xf32, #tpu.memory_space<hbm>> -> memref<8192x1024xf32, #tpu.memory_space<hbm>>
    tpu.enqueue_indirect_dma source(%dma_start3A_31 : memref<8192x1024xf32, #tpu.memory_space<hbm>>) target(%dma_start3A_26 : memref<8x1024xf32, #tpu.memory_space<vmem>>) offsets(%dma_start3A_28 : memref<8xi32, #tpu.memory_space<vmem>>) semaphore(%arg9 : memref<!tpu.dma_semaphore, #tpu.memory_space<semaphore_mem>>)
    %dma_start3A_32 = arith.constant 3 : i32
    %dma_start3A_33 = arith.constant 0 : i32
    %dma_start3A_34 = arith.constant 0 : i32
    %dma_start3A_35 = tpu.memref_slice %arg6[%dma_start3A_32, %dma_start3A_33, %dma_start3A_34] : memref<8x8x1024xf32, #tpu.memory_space<vmem>> -> memref<1x8x1024xf32, #tpu.memory_space<vmem>>
    %dma_start3A_36 = tpu.memref_squeeze %dma_start3A_35 : memref<1x8x1024xf32, #tpu.memory_space<vmem>> -> memref<8x1024xf32, #tpu.memory_space<vmem>>
    %dma_start3A_37 = arith.constant 24 : i32
    %dma_start3A_38 = tpu.memref_slice %arg5[%dma_start3A_37] : memref<1024xi32, #tpu.memory_space<vmem>> -> memref<8xi32, #tpu.memory_space<vmem>>
    %dma_start3A_39 = arith.constant 0 : i32
    %dma_start3A_40 = arith.constant 0 : i32
    %dma_start3A_41 = tpu.memref_slice %arg3[%dma_start3A_39, %dma_start3A_40] : memref<8192x1024xf32, #tpu.memory_space<hbm>> -> memref<8192x1024xf32, #tpu.memory_space<hbm>>
    tpu.enqueue_indirect_dma source(%dma_start3A_41 : memref<8192x1024xf32, #tpu.memory_space<hbm>>) target(%dma_start3A_36 : memref<8x1024xf32, #tpu.memory_space<vmem>>) offsets(%dma_start3A_38 : memref<8xi32, #tpu.memory_space<vmem>>) semaphore(%arg10 : memref<!tpu.dma_semaphore, #tpu.memory_space<semaphore_mem>>)
    %dma_start3A_42 = arith.constant 4 : i32
    %dma_start3A_43 = arith.constant 0 : i32
    %dma_start3A_44 = arith.constant 0 : i32
    %dma_start3A_45 = tpu.memref_slice %arg6[%dma_start3A_42, %dma_start3A_43, %dma_start3A_44] : memref<8x8x1024xf32, #tpu.memory_space<vmem>> -> memref<1x8x1024xf32, #tpu.memory_space<vmem>>
    %dma_start3A_46 = tpu.memref_squeeze %dma_start3A_45 : memref<1x8x1024xf32, #tpu.memory_space<vmem>> -> memref<8x1024xf32, #tpu.memory_space<vmem>>
    %dma_start3A_47 = arith.constant 32 : i32
    %dma_start3A_48 = tpu.memref_slice %arg5[%dma_start3A_47] : memref<1024xi32, #tpu.memory_space<vmem>> -> memref<8xi32, #tpu.memory_space<vmem>>
    %dma_start3A_49 = arith.constant 0 : i32
    %dma_start3A_50 = arith.constant 0 : i32
    %dma_start3A_51 = tpu.memref_slice %arg3[%dma_start3A_49, %dma_start3A_50] : memref<8192x1024xf32, #tpu.memory_space<hbm>> -> memref<8192x1024xf32, #tpu.memory_space<hbm>>
    tpu.enqueue_indirect_dma source(%dma_start3A_51 : memref<8192x1024xf32, #tpu.memory_space<hbm>>) target(%dma_start3A_46 : memref<8x1024xf32, #tpu.memory_space<vmem>>) offsets(%dma_start3A_48 : memref<8xi32, #tpu.memory_space<vmem>>) semaphore(%arg11 : memref<!tpu.dma_semaphore, #tpu.memory_space<semaphore_mem>>)
    %dma_start3A_52 = arith.constant 5 : i32
    %dma_start3A_53 = arith.constant 0 : i32
    %dma_start3A_54 = arith.constant 0 : i32
    %dma_start3A_55 = tpu.memref_slice %arg6[%dma_start3A_52, %dma_start3A_53, %dma_start3A_54] : memref<8x8x1024xf32, #tpu.memory_space<vmem>> -> memref<1x8x1024xf32, #tpu.memory_space<vmem>>
    %dma_start3A_56 = tpu.memref_squeeze %dma_start3A_55 : memref<1x8x1024xf32, #tpu.memory_space<vmem>> -> memref<8x1024xf32, #tpu.memory_space<vmem>>
    %dma_start3A_57 = arith.constant 40 : i32
    %dma_start3A_58 = tpu.memref_slice %arg5[%dma_start3A_57] : memref<1024xi32, #tpu.memory_space<vmem>> -> memref<8xi32, #tpu.memory_space<vmem>>
    %dma_start3A_59 = arith.constant 0 : i32
    %dma_start3A_60 = arith.constant 0 : i32
    %dma_start3A_61 = tpu.memref_slice %arg3[%dma_start3A_59, %dma_start3A_60] : memref<8192x1024xf32, #tpu.memory_space<hbm>> -> memref<8192x1024xf32, #tpu.memory_space<hbm>>
    tpu.enqueue_indirect_dma source(%dma_start3A_61 : memref<8192x1024xf32, #tpu.memory_space<hbm>>) target(%dma_start3A_56 : memref<8x1024xf32, #tpu.memory_space<vmem>>) offsets(%dma_start3A_58 : memref<8xi32, #tpu.memory_space<vmem>>) semaphore(%arg12 : memref<!tpu.dma_semaphore, #tpu.memory_space<semaphore_mem>>)
    %dma_start3A_62 = arith.constant 6 : i32
    %dma_start3A_63 = arith.constant 0 : i32
    %dma_start3A_64 = arith.constant 0 : i32
    %dma_start3A_65 = tpu.memref_slice %arg6[%dma_start3A_62, %dma_start3A_63, %dma_start3A_64] : memref<8x8x1024xf32, #tpu.memory_space<vmem>> -> memref<1x8x1024xf32, #tpu.memory_space<vmem>>
    %dma_start3A_66 = tpu.memref_squeeze %dma_start3A_65 : memref<1x8x1024xf32, #tpu.memory_space<vmem>> -> memref<8x1024xf32, #tpu.memory_space<vmem>>
    %dma_start3A_67 = arith.constant 48 : i32
    %dma_start3A_68 = tpu.memref_slice %arg5[%dma_start3A_67] : memref<1024xi32, #tpu.memory_space<vmem>> -> memref<8xi32, #tpu.memory_space<vmem>>
    %dma_start3A_69 = arith.constant 0 : i32
    %dma_start3A_70 = arith.constant 0 : i32
    %dma_start3A_71 = tpu.memref_slice %arg3[%dma_start3A_69, %dma_start3A_70] : memref<8192x1024xf32, #tpu.memory_space<hbm>> -> memref<8192x1024xf32, #tpu.memory_space<hbm>>
    tpu.enqueue_indirect_dma source(%dma_start3A_71 : memref<8192x1024xf32, #tpu.memory_space<hbm>>) target(%dma_start3A_66 : memref<8x1024xf32, #tpu.memory_space<vmem>>) offsets(%dma_start3A_68 : memref<8xi32, #tpu.memory_space<vmem>>) semaphore(%arg13 : memref<!tpu.dma_semaphore, #tpu.memory_space<semaphore_mem>>)
    %dma_start3A_72 = arith.constant 7 : i32
    %dma_start3A_73 = arith.constant 0 : i32
    %dma_start3A_74 = arith.constant 0 : i32
    %dma_start3A_75 = tpu.memref_slice %arg6[%dma_start3A_72, %dma_start3A_73, %dma_start3A_74] : memref<8x8x1024xf32, #tpu.memory_space<vmem>> -> memref<1x8x1024xf32, #tpu.memory_space<vmem>>
    %dma_start3A_76 = tpu.memref_squeeze %dma_start3A_75 : memref<1x8x1024xf32, #tpu.memory_space<vmem>> -> memref<8x1024xf32, #tpu.memory_space<vmem>>
    %dma_start3A_77 = arith.constant 56 : i32
    %dma_start3A_78 = tpu.memref_slice %arg5[%dma_start3A_77] : memref<1024xi32, #tpu.memory_space<vmem>> -> memref<8xi32, #tpu.memory_space<vmem>>
    %dma_start3A_79 = arith.constant 0 : i32
    %dma_start3A_80 = arith.constant 0 : i32
    %dma_start3A_81 = tpu.memref_slice %arg3[%dma_start3A_79, %dma_start3A_80] : memref<8192x1024xf32, #tpu.memory_space<hbm>> -> memref<8192x1024xf32, #tpu.memory_space<hbm>>
    tpu.enqueue_indirect_dma source(%dma_start3A_81 : memref<8192x1024xf32, #tpu.memory_space<hbm>>) target(%dma_start3A_76 : memref<8x1024xf32, #tpu.memory_space<vmem>>) offsets(%dma_start3A_78 : memref<8xi32, #tpu.memory_space<vmem>>) semaphore(%arg14 : memref<!tpu.dma_semaphore, #tpu.memory_space<semaphore_mem>>)
    %scan3A = arith.constant 0 : i32
    %scan3A_82 = arith.constant 0 : i32
    %scan3A_83 = arith.constant 15 : i32
    %scan3A_84 = arith.addi %scan3A_82, %scan3A_83 : i32
    %scan3A_85 = arith.constant 1 : i32
    scf.for %scan3A_421 = %scan3A_82 to %scan3A_84 step %scan3A_85  : i32 {
      %mul3A_422 = arith.constant 8 : i32
      %mul3A_423 = arith.muli %scan3A_421, %mul3A_422 : i32
      %add3A_424 = arith.constant 0 : i32
      %add3A_425 = arith.addi %mul3A_423, %add3A_424 : i32
      %mul3A_426 = arith.constant 8 : i32
      %mul3A_427 = arith.muli %add3A_425, %mul3A_426 : i32
      %multiple_of3A_428 = tpu.assume_multiple %mul3A_427, 8 : i32
      %dma_wait3A_429 = arith.constant 0 : i32
      %dma_wait3A_430 = arith.constant 0 : i32
      %dma_wait3A_431 = arith.constant 0 : i32
      %dma_wait3A_432 = tpu.memref_slice %arg6[%dma_wait3A_429, %dma_wait3A_430, %dma_wait3A_431] : memref<8x8x1024xf32, #tpu.memory_space<vmem>> -> memref<1x8x1024xf32, #tpu.memory_space<vmem>>
      %dma_wait3A_433 = tpu.memref_squeeze %dma_wait3A_432 : memref<1x8x1024xf32, #tpu.memory_space<vmem>> -> memref<8x1024xf32, #tpu.memory_space<vmem>>
      %dma_wait3A_434 = tpu.memref_slice %arg5[%multiple_of3A_428] : memref<1024xi32, #tpu.memory_space<vmem>> -> memref<8xi32, #tpu.memory_space<vmem>>
      %dma_wait3A_435 = arith.constant 0 : i32
      %dma_wait3A_436 = arith.constant 0 : i32
      %dma_wait3A_437 = tpu.memref_slice %arg3[%dma_wait3A_435, %dma_wait3A_436] : memref<8192x1024xf32, #tpu.memory_space<hbm>> -> memref<8192x1024xf32, #tpu.memory_space<hbm>>
      tpu.wait_indirect_dma semaphore(%arg7 : memref<!tpu.dma_semaphore, #tpu.memory_space<semaphore_mem>>) src(%dma_wait3A_437 : memref<8192x1024xf32, #tpu.memory_space<hbm>>) dst(%dma_wait3A_433 : memref<8x1024xf32, #tpu.memory_space<vmem>>)
      %mul3A_438 = arith.constant 8 : i32
      %mul3A_439 = arith.muli %add3A_425, %mul3A_438 : i32
      %add3A_440 = arith.addi %mul3A_2, %mul3A_439 : i32
      %multiple_of3A_441 = tpu.assume_multiple %add3A_440, 8 : i32
      %dma_start3A_442 = arith.constant 0 : i32
      %dma_start3A_443 = arith.constant 0 : i32
      %dma_start3A_444 = arith.constant 0 : i32
      %dma_start3A_445 = tpu.memref_slice %arg6[%dma_start3A_442, %dma_start3A_443, %dma_start3A_444] : memref<8x8x1024xf32, #tpu.memory_space<vmem>> -> memref<1x8x1024xf32, #tpu.memory_space<vmem>>
      %dma_start3A_446 = tpu.memref_squeeze %dma_start3A_445 : memref<1x8x1024xf32, #tpu.memory_space<vmem>> -> memref<8x1024xf32, #tpu.memory_space<vmem>>
      %dma_start3A_447 = arith.constant 0 : i32
      %dma_start3A_448 = tpu.memref_slice %arg4[%multiple_of3A_441, %dma_start3A_447] : memref<32768x1024xf32, #tpu.memory_space<hbm>> -> memref<8x1024xf32, #tpu.memory_space<hbm>>
      %dma_start3A_449 = arith.constant 0 : i32
      %dma_start3A_450 = tpu.memref_slice %arg4[%multiple_of3A_441, %dma_start3A_449] : memref<32768x1024xf32, #tpu.memory_space<hbm>> -> memref<8x1024xf32, #tpu.memory_space<hbm>>
      %dma_start3A_451 = arith.constant 0 : i32
      %dma_start3A_452 = arith.constant 0 : i32
      %dma_start3A_453 = tpu.memref_slice %arg6[%dma_start3A_442, %dma_start3A_451, %dma_start3A_452] : memref<8x8x1024xf32, #tpu.memory_space<vmem>> -> memref<1x8x1024xf32, #tpu.memory_space<vmem>>
      %dma_start3A_454 = tpu.memref_squeeze %dma_start3A_453 : memref<1x8x1024xf32, #tpu.memory_space<vmem>> -> memref<8x1024xf32, #tpu.memory_space<vmem>>
      tpu.enqueue_dma source(%dma_start3A_454 : memref<8x1024xf32, #tpu.memory_space<vmem>>) target(%dma_start3A_450 : memref<8x1024xf32, #tpu.memory_space<hbm>>) target_semaphore(%arg15 : memref<!tpu.dma_semaphore, #tpu.memory_space<semaphore_mem>>)
      %mul3A_455 = arith.constant 8 : i32
      %mul3A_456 = arith.muli %scan3A_421, %mul3A_455 : i32
      %add3A_457 = arith.constant 1 : i32
      %add3A_458 = arith.addi %mul3A_456, %add3A_457 : i32
      %mul3A_459 = arith.constant 8 : i32
      %mul3A_460 = arith.muli %add3A_458, %mul3A_459 : i32
      %multiple_of3A_461 = tpu.assume_multiple %mul3A_460, 8 : i32
      %dma_wait3A_462 = arith.constant 1 : i32
      %dma_wait3A_463 = arith.constant 0 : i32
      %dma_wait3A_464 = arith.constant 0 : i32
      %dma_wait3A_465 = tpu.memref_slice %arg6[%dma_wait3A_462, %dma_wait3A_463, %dma_wait3A_464] : memref<8x8x1024xf32, #tpu.memory_space<vmem>> -> memref<1x8x1024xf32, #tpu.memory_space<vmem>>
      %dma_wait3A_466 = tpu.memref_squeeze %dma_wait3A_465 : memref<1x8x1024xf32, #tpu.memory_space<vmem>> -> memref<8x1024xf32, #tpu.memory_space<vmem>>
      %dma_wait3A_467 = tpu.memref_slice %arg5[%multiple_of3A_461] : memref<1024xi32, #tpu.memory_space<vmem>> -> memref<8xi32, #tpu.memory_space<vmem>>
      %dma_wait3A_468 = arith.constant 0 : i32
      %dma_wait3A_469 = arith.constant 0 : i32
      %dma_wait3A_470 = tpu.memref_slice %arg3[%dma_wait3A_468, %dma_wait3A_469] : memref<8192x1024xf32, #tpu.memory_space<hbm>> -> memref<8192x1024xf32, #tpu.memory_space<hbm>>
      tpu.wait_indirect_dma semaphore(%arg8 : memref<!tpu.dma_semaphore, #tpu.memory_space<semaphore_mem>>) src(%dma_wait3A_470 : memref<8192x1024xf32, #tpu.memory_space<hbm>>) dst(%dma_wait3A_466 : memref<8x1024xf32, #tpu.memory_space<vmem>>)
      %mul3A_471 = arith.constant 8 : i32
      %mul3A_472 = arith.muli %add3A_458, %mul3A_471 : i32
      %add3A_473 = arith.addi %mul3A_2, %mul3A_472 : i32
      %multiple_of3A_474 = tpu.assume_multiple %add3A_473, 8 : i32
      %dma_start3A_475 = arith.constant 1 : i32
      %dma_start3A_476 = arith.constant 0 : i32
      %dma_start3A_477 = arith.constant 0 : i32
      %dma_start3A_478 = tpu.memref_slice %arg6[%dma_start3A_475, %dma_start3A_476, %dma_start3A_477] : memref<8x8x1024xf32, #tpu.memory_space<vmem>> -> memref<1x8x1024xf32, #tpu.memory_space<vmem>>
      %dma_start3A_479 = tpu.memref_squeeze %dma_start3A_478 : memref<1x8x1024xf32, #tpu.memory_space<vmem>> -> memref<8x1024xf32, #tpu.memory_space<vmem>>
      %dma_start3A_480 = arith.constant 0 : i32
      %dma_start3A_481 = tpu.memref_slice %arg4[%multiple_of3A_474, %dma_start3A_480] : memref<32768x1024xf32, #tpu.memory_space<hbm>> -> memref<8x1024xf32, #tpu.memory_space<hbm>>
      %dma_start3A_482 = arith.constant 0 : i32
      %dma_start3A_483 = tpu.memref_slice %arg4[%multiple_of3A_474, %dma_start3A_482] : memref<32768x1024xf32, #tpu.memory_space<hbm>> -> memref<8x1024xf32, #tpu.memory_space<hbm>>
      %dma_start3A_484 = arith.constant 0 : i32
      %dma_start3A_485 = arith.constant 0 : i32
      %dma_start3A_486 = tpu.memref_slice %arg6[%dma_start3A_475, %dma_start3A_484, %dma_start3A_485] : memref<8x8x1024xf32, #tpu.memory_space<vmem>> -> memref<1x8x1024xf32, #tpu.memory_space<vmem>>
      %dma_start3A_487 = tpu.memref_squeeze %dma_start3A_486 : memref<1x8x1024xf32, #tpu.memory_space<vmem>> -> memref<8x1024xf32, #tpu.memory_space<vmem>>
      tpu.enqueue_dma source(%dma_start3A_487 : memref<8x1024xf32, #tpu.memory_space<vmem>>) target(%dma_start3A_483 : memref<8x1024xf32, #tpu.memory_space<hbm>>) target_semaphore(%arg16 : memref<!tpu.dma_semaphore, #tpu.memory_space<semaphore_mem>>)
      %mul3A_488 = arith.constant 8 : i32
      %mul3A_489 = arith.muli %scan3A_421, %mul3A_488 : i32
      %add3A_490 = arith.constant 2 : i32
      %add3A_491 = arith.addi %mul3A_489, %add3A_490 : i32
      %mul3A_492 = arith.constant 8 : i32
      %mul3A_493 = arith.muli %add3A_491, %mul3A_492 : i32
      %multiple_of3A_494 = tpu.assume_multiple %mul3A_493, 8 : i32
      %dma_wait3A_495 = arith.constant 2 : i32
      %dma_wait3A_496 = arith.constant 0 : i32
      %dma_wait3A_497 = arith.constant 0 : i32
      %dma_wait3A_498 = tpu.memref_slice %arg6[%dma_wait3A_495, %dma_wait3A_496, %dma_wait3A_497] : memref<8x8x1024xf32, #tpu.memory_space<vmem>> -> memref<1x8x1024xf32, #tpu.memory_space<vmem>>
      %dma_wait3A_499 = tpu.memref_squeeze %dma_wait3A_498 : memref<1x8x1024xf32, #tpu.memory_space<vmem>> -> memref<8x1024xf32, #tpu.memory_space<vmem>>
      %dma_wait3A_500 = tpu.memref_slice %arg5[%multiple_of3A_494] : memref<1024xi32, #tpu.memory_space<vmem>> -> memref<8xi32, #tpu.memory_space<vmem>>
      %dma_wait3A_501 = arith.constant 0 : i32
      %dma_wait3A_502 = arith.constant 0 : i32
      %dma_wait3A_503 = tpu.memref_slice %arg3[%dma_wait3A_501, %dma_wait3A_502] : memref<8192x1024xf32, #tpu.memory_space<hbm>> -> memref<8192x1024xf32, #tpu.memory_space<hbm>>
      tpu.wait_indirect_dma semaphore(%arg9 : memref<!tpu.dma_semaphore, #tpu.memory_space<semaphore_mem>>) src(%dma_wait3A_503 : memref<8192x1024xf32, #tpu.memory_space<hbm>>) dst(%dma_wait3A_499 : memref<8x1024xf32, #tpu.memory_space<vmem>>)
      %mul3A_504 = arith.constant 8 : i32
      %mul3A_505 = arith.muli %add3A_491, %mul3A_504 : i32
      %add3A_506 = arith.addi %mul3A_2, %mul3A_505 : i32
      %multiple_of3A_507 = tpu.assume_multiple %add3A_506, 8 : i32
      %dma_start3A_508 = arith.constant 2 : i32
      %dma_start3A_509 = arith.constant 0 : i32
      %dma_start3A_510 = arith.constant 0 : i32
      %dma_start3A_511 = tpu.memref_slice %arg6[%dma_start3A_508, %dma_start3A_509, %dma_start3A_510] : memref<8x8x1024xf32, #tpu.memory_space<vmem>> -> memref<1x8x1024xf32, #tpu.memory_space<vmem>>
      %dma_start3A_512 = tpu.memref_squeeze %dma_start3A_511 : memref<1x8x1024xf32, #tpu.memory_space<vmem>> -> memref<8x1024xf32, #tpu.memory_space<vmem>>
      %dma_start3A_513 = arith.constant 0 : i32
      %dma_start3A_514 = tpu.memref_slice %arg4[%multiple_of3A_507, %dma_start3A_513] : memref<32768x1024xf32, #tpu.memory_space<hbm>> -> memref<8x1024xf32, #tpu.memory_space<hbm>>
      %dma_start3A_515 = arith.constant 0 : i32
      %dma_start3A_516 = tpu.memref_slice %arg4[%multiple_of3A_507, %dma_start3A_515] : memref<32768x1024xf32, #tpu.memory_space<hbm>> -> memref<8x1024xf32, #tpu.memory_space<hbm>>
      %dma_start3A_517 = arith.constant 0 : i32
      %dma_start3A_518 = arith.constant 0 : i32
      %dma_start3A_519 = tpu.memref_slice %arg6[%dma_start3A_508, %dma_start3A_517, %dma_start3A_518] : memref<8x8x1024xf32, #tpu.memory_space<vmem>> -> memref<1x8x1024xf32, #tpu.memory_space<vmem>>
      %dma_start3A_520 = tpu.memref_squeeze %dma_start3A_519 : memref<1x8x1024xf32, #tpu.memory_space<vmem>> -> memref<8x1024xf32, #tpu.memory_space<vmem>>
      tpu.enqueue_dma source(%dma_start3A_520 : memref<8x1024xf32, #tpu.memory_space<vmem>>) target(%dma_start3A_516 : memref<8x1024xf32, #tpu.memory_space<hbm>>) target_semaphore(%arg17 : memref<!tpu.dma_semaphore, #tpu.memory_space<semaphore_mem>>)
      %mul3A_521 = arith.constant 8 : i32
      %mul3A_522 = arith.muli %scan3A_421, %mul3A_521 : i32
      %add3A_523 = arith.constant 3 : i32
      %add3A_524 = arith.addi %mul3A_522, %add3A_523 : i32
      %mul3A_525 = arith.constant 8 : i32
      %mul3A_526 = arith.muli %add3A_524, %mul3A_525 : i32
      %multiple_of3A_527 = tpu.assume_multiple %mul3A_526, 8 : i32
      %dma_wait3A_528 = arith.constant 3 : i32
      %dma_wait3A_529 = arith.constant 0 : i32
      %dma_wait3A_530 = arith.constant 0 : i32
      %dma_wait3A_531 = tpu.memref_slice %arg6[%dma_wait3A_528, %dma_wait3A_529, %dma_wait3A_530] : memref<8x8x1024xf32, #tpu.memory_space<vmem>> -> memref<1x8x1024xf32, #tpu.memory_space<vmem>>
      %dma_wait3A_532 = tpu.memref_squeeze %dma_wait3A_531 : memref<1x8x1024xf32, #tpu.memory_space<vmem>> -> memref<8x1024xf32, #tpu.memory_space<vmem>>
      %dma_wait3A_533 = tpu.memref_slice %arg5[%multiple_of3A_527] : memref<1024xi32, #tpu.memory_space<vmem>> -> memref<8xi32, #tpu.memory_space<vmem>>
      %dma_wait3A_534 = arith.constant 0 : i32
      %dma_wait3A_535 = arith.constant 0 : i32
      %dma_wait3A_536 = tpu.memref_slice %arg3[%dma_wait3A_534, %dma_wait3A_535] : memref<8192x1024xf32, #tpu.memory_space<hbm>> -> memref<8192x1024xf32, #tpu.memory_space<hbm>>
      tpu.wait_indirect_dma semaphore(%arg10 : memref<!tpu.dma_semaphore, #tpu.memory_space<semaphore_mem>>) src(%dma_wait3A_536 : memref<8192x1024xf32, #tpu.memory_space<hbm>>) dst(%dma_wait3A_532 : memref<8x1024xf32, #tpu.memory_space<vmem>>)
      %mul3A_537 = arith.constant 8 : i32
      %mul3A_538 = arith.muli %add3A_524, %mul3A_537 : i32
      %add3A_539 = arith.addi %mul3A_2, %mul3A_538 : i32
      %multiple_of3A_540 = tpu.assume_multiple %add3A_539, 8 : i32
      %dma_start3A_541 = arith.constant 3 : i32
      %dma_start3A_542 = arith.constant 0 : i32
      %dma_start3A_543 = arith.constant 0 : i32
      %dma_start3A_544 = tpu.memref_slice %arg6[%dma_start3A_541, %dma_start3A_542, %dma_start3A_543] : memref<8x8x1024xf32, #tpu.memory_space<vmem>> -> memref<1x8x1024xf32, #tpu.memory_space<vmem>>
      %dma_start3A_545 = tpu.memref_squeeze %dma_start3A_544 : memref<1x8x1024xf32, #tpu.memory_space<vmem>> -> memref<8x1024xf32, #tpu.memory_space<vmem>>
      %dma_start3A_546 = arith.constant 0 : i32
      %dma_start3A_547 = tpu.memref_slice %arg4[%multiple_of3A_540, %dma_start3A_546] : memref<32768x1024xf32, #tpu.memory_space<hbm>> -> memref<8x1024xf32, #tpu.memory_space<hbm>>
      %dma_start3A_548 = arith.constant 0 : i32
      %dma_start3A_549 = tpu.memref_slice %arg4[%multiple_of3A_540, %dma_start3A_548] : memref<32768x1024xf32, #tpu.memory_space<hbm>> -> memref<8x1024xf32, #tpu.memory_space<hbm>>
      %dma_start3A_550 = arith.constant 0 : i32
      %dma_start3A_551 = arith.constant 0 : i32
      %dma_start3A_552 = tpu.memref_slice %arg6[%dma_start3A_541, %dma_start3A_550, %dma_start3A_551] : memref<8x8x1024xf32, #tpu.memory_space<vmem>> -> memref<1x8x1024xf32, #tpu.memory_space<vmem>>
      %dma_start3A_553 = tpu.memref_squeeze %dma_start3A_552 : memref<1x8x1024xf32, #tpu.memory_space<vmem>> -> memref<8x1024xf32, #tpu.memory_space<vmem>>
      tpu.enqueue_dma source(%dma_start3A_553 : memref<8x1024xf32, #tpu.memory_space<vmem>>) target(%dma_start3A_549 : memref<8x1024xf32, #tpu.memory_space<hbm>>) target_semaphore(%arg18 : memref<!tpu.dma_semaphore, #tpu.memory_space<semaphore_mem>>)
      %mul3A_554 = arith.constant 8 : i32
      %mul3A_555 = arith.muli %scan3A_421, %mul3A_554 : i32
      %add3A_556 = arith.constant 4 : i32
      %add3A_557 = arith.addi %mul3A_555, %add3A_556 : i32
      %mul3A_558 = arith.constant 8 : i32
      %mul3A_559 = arith.muli %add3A_557, %mul3A_558 : i32
      %multiple_of3A_560 = tpu.assume_multiple %mul3A_559, 8 : i32
      %dma_wait3A_561 = arith.constant 4 : i32
      %dma_wait3A_562 = arith.constant 0 : i32
      %dma_wait3A_563 = arith.constant 0 : i32
      %dma_wait3A_564 = tpu.memref_slice %arg6[%dma_wait3A_561, %dma_wait3A_562, %dma_wait3A_563] : memref<8x8x1024xf32, #tpu.memory_space<vmem>> -> memref<1x8x1024xf32, #tpu.memory_space<vmem>>
      %dma_wait3A_565 = tpu.memref_squeeze %dma_wait3A_564 : memref<1x8x1024xf32, #tpu.memory_space<vmem>> -> memref<8x1024xf32, #tpu.memory_space<vmem>>
      %dma_wait3A_566 = tpu.memref_slice %arg5[%multiple_of3A_560] : memref<1024xi32, #tpu.memory_space<vmem>> -> memref<8xi32, #tpu.memory_space<vmem>>
      %dma_wait3A_567 = arith.constant 0 : i32
      %dma_wait3A_568 = arith.constant 0 : i32
      %dma_wait3A_569 = tpu.memref_slice %arg3[%dma_wait3A_567, %dma_wait3A_568] : memref<8192x1024xf32, #tpu.memory_space<hbm>> -> memref<8192x1024xf32, #tpu.memory_space<hbm>>
      tpu.wait_indirect_dma semaphore(%arg11 : memref<!tpu.dma_semaphore, #tpu.memory_space<semaphore_mem>>) src(%dma_wait3A_569 : memref<8192x1024xf32, #tpu.memory_space<hbm>>) dst(%dma_wait3A_565 : memref<8x1024xf32, #tpu.memory_space<vmem>>)
      %mul3A_570 = arith.constant 8 : i32
      %mul3A_571 = arith.muli %add3A_557, %mul3A_570 : i32
      %add3A_572 = arith.addi %mul3A_2, %mul3A_571 : i32
      %multiple_of3A_573 = tpu.assume_multiple %add3A_572, 8 : i32
      %dma_start3A_574 = arith.constant 4 : i32
      %dma_start3A_575 = arith.constant 0 : i32
      %dma_start3A_576 = arith.constant 0 : i32
      %dma_start3A_577 = tpu.memref_slice %arg6[%dma_start3A_574, %dma_start3A_575, %dma_start3A_576] : memref<8x8x1024xf32, #tpu.memory_space<vmem>> -> memref<1x8x1024xf32, #tpu.memory_space<vmem>>
      %dma_start3A_578 = tpu.memref_squeeze %dma_start3A_577 : memref<1x8x1024xf32, #tpu.memory_space<vmem>> -> memref<8x1024xf32, #tpu.memory_space<vmem>>
      %dma_start3A_579 = arith.constant 0 : i32
      %dma_start3A_580 = tpu.memref_slice %arg4[%multiple_of3A_573, %dma_start3A_579] : memref<32768x1024xf32, #tpu.memory_space<hbm>> -> memref<8x1024xf32, #tpu.memory_space<hbm>>
      %dma_start3A_581 = arith.constant 0 : i32
      %dma_start3A_582 = tpu.memref_slice %arg4[%multiple_of3A_573, %dma_start3A_581] : memref<32768x1024xf32, #tpu.memory_space<hbm>> -> memref<8x1024xf32, #tpu.memory_space<hbm>>
      %dma_start3A_583 = arith.constant 0 : i32
      %dma_start3A_584 = arith.constant 0 : i32
      %dma_start3A_585 = tpu.memref_slice %arg6[%dma_start3A_574, %dma_start3A_583, %dma_start3A_584] : memref<8x8x1024xf32, #tpu.memory_space<vmem>> -> memref<1x8x1024xf32, #tpu.memory_space<vmem>>
      %dma_start3A_586 = tpu.memref_squeeze %dma_start3A_585 : memref<1x8x1024xf32, #tpu.memory_space<vmem>> -> memref<8x1024xf32, #tpu.memory_space<vmem>>
      tpu.enqueue_dma source(%dma_start3A_586 : memref<8x1024xf32, #tpu.memory_space<vmem>>) target(%dma_start3A_582 : memref<8x1024xf32, #tpu.memory_space<hbm>>) target_semaphore(%arg19 : memref<!tpu.dma_semaphore, #tpu.memory_space<semaphore_mem>>)
      %mul3A_587 = arith.constant 8 : i32
      %mul3A_588 = arith.muli %scan3A_421, %mul3A_587 : i32
      %add3A_589 = arith.constant 5 : i32
      %add3A_590 = arith.addi %mul3A_588, %add3A_589 : i32
      %mul3A_591 = arith.constant 8 : i32
      %mul3A_592 = arith.muli %add3A_590, %mul3A_591 : i32
      %multiple_of3A_593 = tpu.assume_multiple %mul3A_592, 8 : i32
      %dma_wait3A_594 = arith.constant 5 : i32
      %dma_wait3A_595 = arith.constant 0 : i32
      %dma_wait3A_596 = arith.constant 0 : i32
      %dma_wait3A_597 = tpu.memref_slice %arg6[%dma_wait3A_594, %dma_wait3A_595, %dma_wait3A_596] : memref<8x8x1024xf32, #tpu.memory_space<vmem>> -> memref<1x8x1024xf32, #tpu.memory_space<vmem>>
      %dma_wait3A_598 = tpu.memref_squeeze %dma_wait3A_597 : memref<1x8x1024xf32, #tpu.memory_space<vmem>> -> memref<8x1024xf32, #tpu.memory_space<vmem>>
      %dma_wait3A_599 = tpu.memref_slice %arg5[%multiple_of3A_593] : memref<1024xi32, #tpu.memory_space<vmem>> -> memref<8xi32, #tpu.memory_space<vmem>>
      %dma_wait3A_600 = arith.constant 0 : i32
      %dma_wait3A_601 = arith.constant 0 : i32
      %dma_wait3A_602 = tpu.memref_slice %arg3[%dma_wait3A_600, %dma_wait3A_601] : memref<8192x1024xf32, #tpu.memory_space<hbm>> -> memref<8192x1024xf32, #tpu.memory_space<hbm>>
      tpu.wait_indirect_dma semaphore(%arg12 : memref<!tpu.dma_semaphore, #tpu.memory_space<semaphore_mem>>) src(%dma_wait3A_602 : memref<8192x1024xf32, #tpu.memory_space<hbm>>) dst(%dma_wait3A_598 : memref<8x1024xf32, #tpu.memory_space<vmem>>)
      %mul3A_603 = arith.constant 8 : i32
      %mul3A_604 = arith.muli %add3A_590, %mul3A_603 : i32
      %add3A_605 = arith.addi %mul3A_2, %mul3A_604 : i32
      %multiple_of3A_606 = tpu.assume_multiple %add3A_605, 8 : i32
      %dma_start3A_607 = arith.constant 5 : i32
      %dma_start3A_608 = arith.constant 0 : i32
      %dma_start3A_609 = arith.constant 0 : i32
      %dma_start3A_610 = tpu.memref_slice %arg6[%dma_start3A_607, %dma_start3A_608, %dma_start3A_609] : memref<8x8x1024xf32, #tpu.memory_space<vmem>> -> memref<1x8x1024xf32, #tpu.memory_space<vmem>>
      %dma_start3A_611 = tpu.memref_squeeze %dma_start3A_610 : memref<1x8x1024xf32, #tpu.memory_space<vmem>> -> memref<8x1024xf32, #tpu.memory_space<vmem>>
      %dma_start3A_612 = arith.constant 0 : i32
      %dma_start3A_613 = tpu.memref_slice %arg4[%multiple_of3A_606, %dma_start3A_612] : memref<32768x1024xf32, #tpu.memory_space<hbm>> -> memref<8x1024xf32, #tpu.memory_space<hbm>>
      %dma_start3A_614 = arith.constant 0 : i32
      %dma_start3A_615 = tpu.memref_slice %arg4[%multiple_of3A_606, %dma_start3A_614] : memref<32768x1024xf32, #tpu.memory_space<hbm>> -> memref<8x1024xf32, #tpu.memory_space<hbm>>
      %dma_start3A_616 = arith.constant 0 : i32
      %dma_start3A_617 = arith.constant 0 : i32
      %dma_start3A_618 = tpu.memref_slice %arg6[%dma_start3A_607, %dma_start3A_616, %dma_start3A_617] : memref<8x8x1024xf32, #tpu.memory_space<vmem>> -> memref<1x8x1024xf32, #tpu.memory_space<vmem>>
      %dma_start3A_619 = tpu.memref_squeeze %dma_start3A_618 : memref<1x8x1024xf32, #tpu.memory_space<vmem>> -> memref<8x1024xf32, #tpu.memory_space<vmem>>
      tpu.enqueue_dma source(%dma_start3A_619 : memref<8x1024xf32, #tpu.memory_space<vmem>>) target(%dma_start3A_615 : memref<8x1024xf32, #tpu.memory_space<hbm>>) target_semaphore(%arg20 : memref<!tpu.dma_semaphore, #tpu.memory_space<semaphore_mem>>)
      %mul3A_620 = arith.constant 8 : i32
      %mul3A_621 = arith.muli %scan3A_421, %mul3A_620 : i32
      %add3A_622 = arith.constant 6 : i32
      %add3A_623 = arith.addi %mul3A_621, %add3A_622 : i32
      %mul3A_624 = arith.constant 8 : i32
      %mul3A_625 = arith.muli %add3A_623, %mul3A_624 : i32
      %multiple_of3A_626 = tpu.assume_multiple %mul3A_625, 8 : i32
      %dma_wait3A_627 = arith.constant 6 : i32
      %dma_wait3A_628 = arith.constant 0 : i32
      %dma_wait3A_629 = arith.constant 0 : i32
      %dma_wait3A_630 = tpu.memref_slice %arg6[%dma_wait3A_627, %dma_wait3A_628, %dma_wait3A_629] : memref<8x8x1024xf32, #tpu.memory_space<vmem>> -> memref<1x8x1024xf32, #tpu.memory_space<vmem>>
      %dma_wait3A_631 = tpu.memref_squeeze %dma_wait3A_630 : memref<1x8x1024xf32, #tpu.memory_space<vmem>> -> memref<8x1024xf32, #tpu.memory_space<vmem>>
      %dma_wait3A_632 = tpu.memref_slice %arg5[%multiple_of3A_626] : memref<1024xi32, #tpu.memory_space<vmem>> -> memref<8xi32, #tpu.memory_space<vmem>>
      %dma_wait3A_633 = arith.constant 0 : i32
      %dma_wait3A_634 = arith.constant 0 : i32
      %dma_wait3A_635 = tpu.memref_slice %arg3[%dma_wait3A_633, %dma_wait3A_634] : memref<8192x1024xf32, #tpu.memory_space<hbm>> -> memref<8192x1024xf32, #tpu.memory_space<hbm>>
      tpu.wait_indirect_dma semaphore(%arg13 : memref<!tpu.dma_semaphore, #tpu.memory_space<semaphore_mem>>) src(%dma_wait3A_635 : memref<8192x1024xf32, #tpu.memory_space<hbm>>) dst(%dma_wait3A_631 : memref<8x1024xf32, #tpu.memory_space<vmem>>)
      %mul3A_636 = arith.constant 8 : i32
      %mul3A_637 = arith.muli %add3A_623, %mul3A_636 : i32
      %add3A_638 = arith.addi %mul3A_2, %mul3A_637 : i32
      %multiple_of3A_639 = tpu.assume_multiple %add3A_638, 8 : i32
      %dma_start3A_640 = arith.constant 6 : i32
      %dma_start3A_641 = arith.constant 0 : i32
      %dma_start3A_642 = arith.constant 0 : i32
      %dma_start3A_643 = tpu.memref_slice %arg6[%dma_start3A_640, %dma_start3A_641, %dma_start3A_642] : memref<8x8x1024xf32, #tpu.memory_space<vmem>> -> memref<1x8x1024xf32, #tpu.memory_space<vmem>>
      %dma_start3A_644 = tpu.memref_squeeze %dma_start3A_643 : memref<1x8x1024xf32, #tpu.memory_space<vmem>> -> memref<8x1024xf32, #tpu.memory_space<vmem>>
      %dma_start3A_645 = arith.constant 0 : i32
      %dma_start3A_646 = tpu.memref_slice %arg4[%multiple_of3A_639, %dma_start3A_645] : memref<32768x1024xf32, #tpu.memory_space<hbm>> -> memref<8x1024xf32, #tpu.memory_space<hbm>>
      %dma_start3A_647 = arith.constant 0 : i32
      %dma_start3A_648 = tpu.memref_slice %arg4[%multiple_of3A_639, %dma_start3A_647] : memref<32768x1024xf32, #tpu.memory_space<hbm>> -> memref<8x1024xf32, #tpu.memory_space<hbm>>
      %dma_start3A_649 = arith.constant 0 : i32
      %dma_start3A_650 = arith.constant 0 : i32
      %dma_start3A_651 = tpu.memref_slice %arg6[%dma_start3A_640, %dma_start3A_649, %dma_start3A_650] : memref<8x8x1024xf32, #tpu.memory_space<vmem>> -> memref<1x8x1024xf32, #tpu.memory_space<vmem>>
      %dma_start3A_652 = tpu.memref_squeeze %dma_start3A_651 : memref<1x8x1024xf32, #tpu.memory_space<vmem>> -> memref<8x1024xf32, #tpu.memory_space<vmem>>
      tpu.enqueue_dma source(%dma_start3A_652 : memref<8x1024xf32, #tpu.memory_space<vmem>>) target(%dma_start3A_648 : memref<8x1024xf32, #tpu.memory_space<hbm>>) target_semaphore(%arg21 : memref<!tpu.dma_semaphore, #tpu.memory_space<semaphore_mem>>)
      %mul3A_653 = arith.constant 8 : i32
      %mul3A_654 = arith.muli %scan3A_421, %mul3A_653 : i32
      %add3A_655 = arith.constant 7 : i32
      %add3A_656 = arith.addi %mul3A_654, %add3A_655 : i32
      %mul3A_657 = arith.constant 8 : i32
      %mul3A_658 = arith.muli %add3A_656, %mul3A_657 : i32
      %multiple_of3A_659 = tpu.assume_multiple %mul3A_658, 8 : i32
      %dma_wait3A_660 = arith.constant 7 : i32
      %dma_wait3A_661 = arith.constant 0 : i32
      %dma_wait3A_662 = arith.constant 0 : i32
      %dma_wait3A_663 = tpu.memref_slice %arg6[%dma_wait3A_660, %dma_wait3A_661, %dma_wait3A_662] : memref<8x8x1024xf32, #tpu.memory_space<vmem>> -> memref<1x8x1024xf32, #tpu.memory_space<vmem>>
      %dma_wait3A_664 = tpu.memref_squeeze %dma_wait3A_663 : memref<1x8x1024xf32, #tpu.memory_space<vmem>> -> memref<8x1024xf32, #tpu.memory_space<vmem>>
      %dma_wait3A_665 = tpu.memref_slice %arg5[%multiple_of3A_659] : memref<1024xi32, #tpu.memory_space<vmem>> -> memref<8xi32, #tpu.memory_space<vmem>>
      %dma_wait3A_666 = arith.constant 0 : i32
      %dma_wait3A_667 = arith.constant 0 : i32
      %dma_wait3A_668 = tpu.memref_slice %arg3[%dma_wait3A_666, %dma_wait3A_667] : memref<8192x1024xf32, #tpu.memory_space<hbm>> -> memref<8192x1024xf32, #tpu.memory_space<hbm>>
      tpu.wait_indirect_dma semaphore(%arg14 : memref<!tpu.dma_semaphore, #tpu.memory_space<semaphore_mem>>) src(%dma_wait3A_668 : memref<8192x1024xf32, #tpu.memory_space<hbm>>) dst(%dma_wait3A_664 : memref<8x1024xf32, #tpu.memory_space<vmem>>)
      %mul3A_669 = arith.constant 8 : i32
      %mul3A_670 = arith.muli %add3A_656, %mul3A_669 : i32
      %add3A_671 = arith.addi %mul3A_2, %mul3A_670 : i32
      %multiple_of3A_672 = tpu.assume_multiple %add3A_671, 8 : i32
      %dma_start3A_673 = arith.constant 7 : i32
      %dma_start3A_674 = arith.constant 0 : i32
      %dma_start3A_675 = arith.constant 0 : i32
      %dma_start3A_676 = tpu.memref_slice %arg6[%dma_start3A_673, %dma_start3A_674, %dma_start3A_675] : memref<8x8x1024xf32, #tpu.memory_space<vmem>> -> memref<1x8x1024xf32, #tpu.memory_space<vmem>>
      %dma_start3A_677 = tpu.memref_squeeze %dma_start3A_676 : memref<1x8x1024xf32, #tpu.memory_space<vmem>> -> memref<8x1024xf32, #tpu.memory_space<vmem>>
      %dma_start3A_678 = arith.constant 0 : i32
      %dma_start3A_679 = tpu.memref_slice %arg4[%multiple_of3A_672, %dma_start3A_678] : memref<32768x1024xf32, #tpu.memory_space<hbm>> -> memref<8x1024xf32, #tpu.memory_space<hbm>>
      %dma_start3A_680 = arith.constant 0 : i32
      %dma_start3A_681 = tpu.memref_slice %arg4[%multiple_of3A_672, %dma_start3A_680] : memref<32768x1024xf32, #tpu.memory_space<hbm>> -> memref<8x1024xf32, #tpu.memory_space<hbm>>
      %dma_start3A_682 = arith.constant 0 : i32
      %dma_start3A_683 = arith.constant 0 : i32
      %dma_start3A_684 = tpu.memref_slice %arg6[%dma_start3A_673, %dma_start3A_682, %dma_start3A_683] : memref<8x8x1024xf32, #tpu.memory_space<vmem>> -> memref<1x8x1024xf32, #tpu.memory_space<vmem>>
      %dma_start3A_685 = tpu.memref_squeeze %dma_start3A_684 : memref<1x8x1024xf32, #tpu.memory_space<vmem>> -> memref<8x1024xf32, #tpu.memory_space<vmem>>
      tpu.enqueue_dma source(%dma_start3A_685 : memref<8x1024xf32, #tpu.memory_space<vmem>>) target(%dma_start3A_681 : memref<8x1024xf32, #tpu.memory_space<hbm>>) target_semaphore(%arg22 : memref<!tpu.dma_semaphore, #tpu.memory_space<semaphore_mem>>)
      %mul3A_686 = arith.constant 8 : i32
      %mul3A_687 = arith.muli %scan3A_421, %mul3A_686 : i32
      %add3A_688 = arith.constant 0 : i32
      %add3A_689 = arith.addi %mul3A_687, %add3A_688 : i32
      %mul3A_690 = arith.constant 8 : i32
      %mul3A_691 = arith.muli %add3A_689, %mul3A_690 : i32
      %add3A_692 = arith.addi %mul3A_2, %mul3A_691 : i32
      %multiple_of3A_693 = tpu.assume_multiple %add3A_692, 8 : i32
      %dma_wait3A_694 = arith.constant 0 : i32
      %dma_wait3A_695 = arith.constant 0 : i32
      %dma_wait3A_696 = arith.constant 0 : i32
      %dma_wait3A_697 = tpu.memref_slice %arg6[%dma_wait3A_694, %dma_wait3A_695, %dma_wait3A_696] : memref<8x8x1024xf32, #tpu.memory_space<vmem>> -> memref<1x8x1024xf32, #tpu.memory_space<vmem>>
      %dma_wait3A_698 = tpu.memref_squeeze %dma_wait3A_697 : memref<1x8x1024xf32, #tpu.memory_space<vmem>> -> memref<8x1024xf32, #tpu.memory_space<vmem>>
      %dma_wait3A_699 = arith.constant 0 : i32
      %dma_wait3A_700 = tpu.memref_slice %arg4[%multiple_of3A_693, %dma_wait3A_699] : memref<32768x1024xf32, #tpu.memory_space<hbm>> -> memref<8x1024xf32, #tpu.memory_space<hbm>>
      %dma_wait3A_701 = arith.constant 0 : i32
      %dma_wait3A_702 = tpu.memref_slice %arg4[%multiple_of3A_693, %dma_wait3A_701] : memref<32768x1024xf32, #tpu.memory_space<hbm>> -> memref<8x1024xf32, #tpu.memory_space<hbm>>
      %dma_wait3A_703 = arith.constant 0 : i32
      %dma_wait3A_704 = arith.constant 0 : i32
      %dma_wait3A_705 = tpu.memref_slice %arg6[%dma_wait3A_694, %dma_wait3A_703, %dma_wait3A_704] : memref<8x8x1024xf32, #tpu.memory_space<vmem>> -> memref<1x8x1024xf32, #tpu.memory_space<vmem>>
      %dma_wait3A_706 = tpu.memref_squeeze %dma_wait3A_705 : memref<1x8x1024xf32, #tpu.memory_space<vmem>> -> memref<8x1024xf32, #tpu.memory_space<vmem>>
      tpu.wait_dma2 semaphore(%arg15 : memref<!tpu.dma_semaphore, #tpu.memory_space<semaphore_mem>>) src(%dma_wait3A_706 : memref<8x1024xf32, #tpu.memory_space<vmem>>) dst(%dma_wait3A_702 : memref<8x1024xf32, #tpu.memory_space<hbm>>)
      %add3A_707 = arith.constant 8 : i32
      %add3A_708 = arith.addi %add3A_689, %add3A_707 : i32
      %mul3A_709 = arith.constant 8 : i32
      %mul3A_710 = arith.muli %add3A_708, %mul3A_709 : i32
      %multiple_of3A_711 = tpu.assume_multiple %mul3A_710, 8 : i32
      %dma_start3A_712 = arith.constant 0 : i32
      %dma_start3A_713 = arith.constant 0 : i32
      %dma_start3A_714 = arith.constant 0 : i32
      %dma_start3A_715 = tpu.memref_slice %arg6[%dma_start3A_712, %dma_start3A_713, %dma_start3A_714] : memref<8x8x1024xf32, #tpu.memory_space<vmem>> -> memref<1x8x1024xf32, #tpu.memory_space<vmem>>
      %dma_start3A_716 = tpu.memref_squeeze %dma_start3A_715 : memref<1x8x1024xf32, #tpu.memory_space<vmem>> -> memref<8x1024xf32, #tpu.memory_space<vmem>>
      %dma_start3A_717 = tpu.memref_slice %arg5[%multiple_of3A_711] : memref<1024xi32, #tpu.memory_space<vmem>> -> memref<8xi32, #tpu.memory_space<vmem>>
      %dma_start3A_718 = arith.constant 0 : i32
      %dma_start3A_719 = arith.constant 0 : i32
      %dma_start3A_720 = tpu.memref_slice %arg3[%dma_start3A_718, %dma_start3A_719] : memref<8192x1024xf32, #tpu.memory_space<hbm>> -> memref<8192x1024xf32, #tpu.memory_space<hbm>>
      tpu.enqueue_indirect_dma source(%dma_start3A_720 : memref<8192x1024xf32, #tpu.memory_space<hbm>>) target(%dma_start3A_716 : memref<8x1024xf32, #tpu.memory_space<vmem>>) offsets(%dma_start3A_717 : memref<8xi32, #tpu.memory_space<vmem>>) semaphore(%arg7 : memref<!tpu.dma_semaphore, #tpu.memory_space<semaphore_mem>>)
      %mul3A_721 = arith.constant 8 : i32
      %mul3A_722 = arith.muli %scan3A_421, %mul3A_721 : i32
      %add3A_723 = arith.constant 1 : i32
      %add3A_724 = arith.addi %mul3A_722, %add3A_723 : i32
      %mul3A_725 = arith.constant 8 : i32
      %mul3A_726 = arith.muli %add3A_724, %mul3A_725 : i32
      %add3A_727 = arith.addi %mul3A_2, %mul3A_726 : i32
      %multiple_of3A_728 = tpu.assume_multiple %add3A_727, 8 : i32
      %dma_wait3A_729 = arith.constant 1 : i32
      %dma_wait3A_730 = arith.constant 0 : i32
      %dma_wait3A_731 = arith.constant 0 : i32
      %dma_wait3A_732 = tpu.memref_slice %arg6[%dma_wait3A_729, %dma_wait3A_730, %dma_wait3A_731] : memref<8x8x1024xf32, #tpu.memory_space<vmem>> -> memref<1x8x1024xf32, #tpu.memory_space<vmem>>
      %dma_wait3A_733 = tpu.memref_squeeze %dma_wait3A_732 : memref<1x8x1024xf32, #tpu.memory_space<vmem>> -> memref<8x1024xf32, #tpu.memory_space<vmem>>
      %dma_wait3A_734 = arith.constant 0 : i32
      %dma_wait3A_735 = tpu.memref_slice %arg4[%multiple_of3A_728, %dma_wait3A_734] : memref<32768x1024xf32, #tpu.memory_space<hbm>> -> memref<8x1024xf32, #tpu.memory_space<hbm>>
      %dma_wait3A_736 = arith.constant 0 : i32
      %dma_wait3A_737 = tpu.memref_slice %arg4[%multiple_of3A_728, %dma_wait3A_736] : memref<32768x1024xf32, #tpu.memory_space<hbm>> -> memref<8x1024xf32, #tpu.memory_space<hbm>>
      %dma_wait3A_738 = arith.constant 0 : i32
      %dma_wait3A_739 = arith.constant 0 : i32
      %dma_wait3A_740 = tpu.memref_slice %arg6[%dma_wait3A_729, %dma_wait3A_738, %dma_wait3A_739] : memref<8x8x1024xf32, #tpu.memory_space<vmem>> -> memref<1x8x1024xf32, #tpu.memory_space<vmem>>
      %dma_wait3A_741 = tpu.memref_squeeze %dma_wait3A_740 : memref<1x8x1024xf32, #tpu.memory_space<vmem>> -> memref<8x1024xf32, #tpu.memory_space<vmem>>
      tpu.wait_dma2 semaphore(%arg16 : memref<!tpu.dma_semaphore, #tpu.memory_space<semaphore_mem>>) src(%dma_wait3A_741 : memref<8x1024xf32, #tpu.memory_space<vmem>>) dst(%dma_wait3A_737 : memref<8x1024xf32, #tpu.memory_space<hbm>>)
      %add3A_742 = arith.constant 8 : i32
      %add3A_743 = arith.addi %add3A_724, %add3A_742 : i32
      %mul3A_744 = arith.constant 8 : i32
      %mul3A_745 = arith.muli %add3A_743, %mul3A_744 : i32
      %multiple_of3A_746 = tpu.assume_multiple %mul3A_745, 8 : i32
      %dma_start3A_747 = arith.constant 1 : i32
      %dma_start3A_748 = arith.constant 0 : i32
      %dma_start3A_749 = arith.constant 0 : i32
      %dma_start3A_750 = tpu.memref_slice %arg6[%dma_start3A_747, %dma_start3A_748, %dma_start3A_749] : memref<8x8x1024xf32, #tpu.memory_space<vmem>> -> memref<1x8x1024xf32, #tpu.memory_space<vmem>>
      %dma_start3A_751 = tpu.memref_squeeze %dma_start3A_750 : memref<1x8x1024xf32, #tpu.memory_space<vmem>> -> memref<8x1024xf32, #tpu.memory_space<vmem>>
      %dma_start3A_752 = tpu.memref_slice %arg5[%multiple_of3A_746] : memref<1024xi32, #tpu.memory_space<vmem>> -> memref<8xi32, #tpu.memory_space<vmem>>
      %dma_start3A_753 = arith.constant 0 : i32
      %dma_start3A_754 = arith.constant 0 : i32
      %dma_start3A_755 = tpu.memref_slice %arg3[%dma_start3A_753, %dma_start3A_754] : memref<8192x1024xf32, #tpu.memory_space<hbm>> -> memref<8192x1024xf32, #tpu.memory_space<hbm>>
      tpu.enqueue_indirect_dma source(%dma_start3A_755 : memref<8192x1024xf32, #tpu.memory_space<hbm>>) target(%dma_start3A_751 : memref<8x1024xf32, #tpu.memory_space<vmem>>) offsets(%dma_start3A_752 : memref<8xi32, #tpu.memory_space<vmem>>) semaphore(%arg8 : memref<!tpu.dma_semaphore, #tpu.memory_space<semaphore_mem>>)
      %mul3A_756 = arith.constant 8 : i32
      %mul3A_757 = arith.muli %scan3A_421, %mul3A_756 : i32
      %add3A_758 = arith.constant 2 : i32
      %add3A_759 = arith.addi %mul3A_757, %add3A_758 : i32
      %mul3A_760 = arith.constant 8 : i32
      %mul3A_761 = arith.muli %add3A_759, %mul3A_760 : i32
      %add3A_762 = arith.addi %mul3A_2, %mul3A_761 : i32
      %multiple_of3A_763 = tpu.assume_multiple %add3A_762, 8 : i32
      %dma_wait3A_764 = arith.constant 2 : i32
      %dma_wait3A_765 = arith.constant 0 : i32
      %dma_wait3A_766 = arith.constant 0 : i32
      %dma_wait3A_767 = tpu.memref_slice %arg6[%dma_wait3A_764, %dma_wait3A_765, %dma_wait3A_766] : memref<8x8x1024xf32, #tpu.memory_space<vmem>> -> memref<1x8x1024xf32, #tpu.memory_space<vmem>>
      %dma_wait3A_768 = tpu.memref_squeeze %dma_wait3A_767 : memref<1x8x1024xf32, #tpu.memory_space<vmem>> -> memref<8x1024xf32, #tpu.memory_space<vmem>>
      %dma_wait3A_769 = arith.constant 0 : i32
      %dma_wait3A_770 = tpu.memref_slice %arg4[%multiple_of3A_763, %dma_wait3A_769] : memref<32768x1024xf32, #tpu.memory_space<hbm>> -> memref<8x1024xf32, #tpu.memory_space<hbm>>
      %dma_wait3A_771 = arith.constant 0 : i32
      %dma_wait3A_772 = tpu.memref_slice %arg4[%multiple_of3A_763, %dma_wait3A_771] : memref<32768x1024xf32, #tpu.memory_space<hbm>> -> memref<8x1024xf32, #tpu.memory_space<hbm>>
      %dma_wait3A_773 = arith.constant 0 : i32
      %dma_wait3A_774 = arith.constant 0 : i32
      %dma_wait3A_775 = tpu.memref_slice %arg6[%dma_wait3A_764, %dma_wait3A_773, %dma_wait3A_774] : memref<8x8x1024xf32, #tpu.memory_space<vmem>> -> memref<1x8x1024xf32, #tpu.memory_space<vmem>>
      %dma_wait3A_776 = tpu.memref_squeeze %dma_wait3A_775 : memref<1x8x1024xf32, #tpu.memory_space<vmem>> -> memref<8x1024xf32, #tpu.memory_space<vmem>>
      tpu.wait_dma2 semaphore(%arg17 : memref<!tpu.dma_semaphore, #tpu.memory_space<semaphore_mem>>) src(%dma_wait3A_776 : memref<8x1024xf32, #tpu.memory_space<vmem>>) dst(%dma_wait3A_772 : memref<8x1024xf32, #tpu.memory_space<hbm>>)
      %add3A_777 = arith.constant 8 : i32
      %add3A_778 = arith.addi %add3A_759, %add3A_777 : i32
      %mul3A_779 = arith.constant 8 : i32
      %mul3A_780 = arith.muli %add3A_778, %mul3A_779 : i32
      %multiple_of3A_781 = tpu.assume_multiple %mul3A_780, 8 : i32
      %dma_start3A_782 = arith.constant 2 : i32
      %dma_start3A_783 = arith.constant 0 : i32
      %dma_start3A_784 = arith.constant 0 : i32
      %dma_start3A_785 = tpu.memref_slice %arg6[%dma_start3A_782, %dma_start3A_783, %dma_start3A_784] : memref<8x8x1024xf32, #tpu.memory_space<vmem>> -> memref<1x8x1024xf32, #tpu.memory_space<vmem>>
      %dma_start3A_786 = tpu.memref_squeeze %dma_start3A_785 : memref<1x8x1024xf32, #tpu.memory_space<vmem>> -> memref<8x1024xf32, #tpu.memory_space<vmem>>
      %dma_start3A_787 = tpu.memref_slice %arg5[%multiple_of3A_781] : memref<1024xi32, #tpu.memory_space<vmem>> -> memref<8xi32, #tpu.memory_space<vmem>>
      %dma_start3A_788 = arith.constant 0 : i32
      %dma_start3A_789 = arith.constant 0 : i32
      %dma_start3A_790 = tpu.memref_slice %arg3[%dma_start3A_788, %dma_start3A_789] : memref<8192x1024xf32, #tpu.memory_space<hbm>> -> memref<8192x1024xf32, #tpu.memory_space<hbm>>
      tpu.enqueue_indirect_dma source(%dma_start3A_790 : memref<8192x1024xf32, #tpu.memory_space<hbm>>) target(%dma_start3A_786 : memref<8x1024xf32, #tpu.memory_space<vmem>>) offsets(%dma_start3A_787 : memref<8xi32, #tpu.memory_space<vmem>>) semaphore(%arg9 : memref<!tpu.dma_semaphore, #tpu.memory_space<semaphore_mem>>)
      %mul3A_791 = arith.constant 8 : i32
      %mul3A_792 = arith.muli %scan3A_421, %mul3A_791 : i32
      %add3A_793 = arith.constant 3 : i32
      %add3A_794 = arith.addi %mul3A_792, %add3A_793 : i32
      %mul3A_795 = arith.constant 8 : i32
      %mul3A_796 = arith.muli %add3A_794, %mul3A_795 : i32
      %add3A_797 = arith.addi %mul3A_2, %mul3A_796 : i32
      %multiple_of3A_798 = tpu.assume_multiple %add3A_797, 8 : i32
      %dma_wait3A_799 = arith.constant 3 : i32
      %dma_wait3A_800 = arith.constant 0 : i32
      %dma_wait3A_801 = arith.constant 0 : i32
      %dma_wait3A_802 = tpu.memref_slice %arg6[%dma_wait3A_799, %dma_wait3A_800, %dma_wait3A_801] : memref<8x8x1024xf32, #tpu.memory_space<vmem>> -> memref<1x8x1024xf32, #tpu.memory_space<vmem>>
      %dma_wait3A_803 = tpu.memref_squeeze %dma_wait3A_802 : memref<1x8x1024xf32, #tpu.memory_space<vmem>> -> memref<8x1024xf32, #tpu.memory_space<vmem>>
      %dma_wait3A_804 = arith.constant 0 : i32
      %dma_wait3A_805 = tpu.memref_slice %arg4[%multiple_of3A_798, %dma_wait3A_804] : memref<32768x1024xf32, #tpu.memory_space<hbm>> -> memref<8x1024xf32, #tpu.memory_space<hbm>>
      %dma_wait3A_806 = arith.constant 0 : i32
      %dma_wait3A_807 = tpu.memref_slice %arg4[%multiple_of3A_798, %dma_wait3A_806] : memref<32768x1024xf32, #tpu.memory_space<hbm>> -> memref<8x1024xf32, #tpu.memory_space<hbm>>
      %dma_wait3A_808 = arith.constant 0 : i32
      %dma_wait3A_809 = arith.constant 0 : i32
      %dma_wait3A_810 = tpu.memref_slice %arg6[%dma_wait3A_799, %dma_wait3A_808, %dma_wait3A_809] : memref<8x8x1024xf32, #tpu.memory_space<vmem>> -> memref<1x8x1024xf32, #tpu.memory_space<vmem>>
      %dma_wait3A_811 = tpu.memref_squeeze %dma_wait3A_810 : memref<1x8x1024xf32, #tpu.memory_space<vmem>> -> memref<8x1024xf32, #tpu.memory_space<vmem>>
      tpu.wait_dma2 semaphore(%arg18 : memref<!tpu.dma_semaphore, #tpu.memory_space<semaphore_mem>>) src(%dma_wait3A_811 : memref<8x1024xf32, #tpu.memory_space<vmem>>) dst(%dma_wait3A_807 : memref<8x1024xf32, #tpu.memory_space<hbm>>)
      %add3A_812 = arith.constant 8 : i32
      %add3A_813 = arith.addi %add3A_794, %add3A_812 : i32
      %mul3A_814 = arith.constant 8 : i32
      %mul3A_815 = arith.muli %add3A_813, %mul3A_814 : i32
      %multiple_of3A_816 = tpu.assume_multiple %mul3A_815, 8 : i32
      %dma_start3A_817 = arith.constant 3 : i32
      %dma_start3A_818 = arith.constant 0 : i32
      %dma_start3A_819 = arith.constant 0 : i32
      %dma_start3A_820 = tpu.memref_slice %arg6[%dma_start3A_817, %dma_start3A_818, %dma_start3A_819] : memref<8x8x1024xf32, #tpu.memory_space<vmem>> -> memref<1x8x1024xf32, #tpu.memory_space<vmem>>
      %dma_start3A_821 = tpu.memref_squeeze %dma_start3A_820 : memref<1x8x1024xf32, #tpu.memory_space<vmem>> -> memref<8x1024xf32, #tpu.memory_space<vmem>>
      %dma_start3A_822 = tpu.memref_slice %arg5[%multiple_of3A_816] : memref<1024xi32, #tpu.memory_space<vmem>> -> memref<8xi32, #tpu.memory_space<vmem>>
      %dma_start3A_823 = arith.constant 0 : i32
      %dma_start3A_824 = arith.constant 0 : i32
      %dma_start3A_825 = tpu.memref_slice %arg3[%dma_start3A_823, %dma_start3A_824] : memref<8192x1024xf32, #tpu.memory_space<hbm>> -> memref<8192x1024xf32, #tpu.memory_space<hbm>>
      tpu.enqueue_indirect_dma source(%dma_start3A_825 : memref<8192x1024xf32, #tpu.memory_space<hbm>>) target(%dma_start3A_821 : memref<8x1024xf32, #tpu.memory_space<vmem>>) offsets(%dma_start3A_822 : memref<8xi32, #tpu.memory_space<vmem>>) semaphore(%arg10 : memref<!tpu.dma_semaphore, #tpu.memory_space<semaphore_mem>>)
      %mul3A_826 = arith.constant 8 : i32
      %mul3A_827 = arith.muli %scan3A_421, %mul3A_826 : i32
      %add3A_828 = arith.constant 4 : i32
      %add3A_829 = arith.addi %mul3A_827, %add3A_828 : i32
      %mul3A_830 = arith.constant 8 : i32
      %mul3A_831 = arith.muli %add3A_829, %mul3A_830 : i32
      %add3A_832 = arith.addi %mul3A_2, %mul3A_831 : i32
      %multiple_of3A_833 = tpu.assume_multiple %add3A_832, 8 : i32
      %dma_wait3A_834 = arith.constant 4 : i32
      %dma_wait3A_835 = arith.constant 0 : i32
      %dma_wait3A_836 = arith.constant 0 : i32
      %dma_wait3A_837 = tpu.memref_slice %arg6[%dma_wait3A_834, %dma_wait3A_835, %dma_wait3A_836] : memref<8x8x1024xf32, #tpu.memory_space<vmem>> -> memref<1x8x1024xf32, #tpu.memory_space<vmem>>
      %dma_wait3A_838 = tpu.memref_squeeze %dma_wait3A_837 : memref<1x8x1024xf32, #tpu.memory_space<vmem>> -> memref<8x1024xf32, #tpu.memory_space<vmem>>
      %dma_wait3A_839 = arith.constant 0 : i32
      %dma_wait3A_840 = tpu.memref_slice %arg4[%multiple_of3A_833, %dma_wait3A_839] : memref<32768x1024xf32, #tpu.memory_space<hbm>> -> memref<8x1024xf32, #tpu.memory_space<hbm>>
      %dma_wait3A_841 = arith.constant 0 : i32
      %dma_wait3A_842 = tpu.memref_slice %arg4[%multiple_of3A_833, %dma_wait3A_841] : memref<32768x1024xf32, #tpu.memory_space<hbm>> -> memref<8x1024xf32, #tpu.memory_space<hbm>>
      %dma_wait3A_843 = arith.constant 0 : i32
      %dma_wait3A_844 = arith.constant 0 : i32
      %dma_wait3A_845 = tpu.memref_slice %arg6[%dma_wait3A_834, %dma_wait3A_843, %dma_wait3A_844] : memref<8x8x1024xf32, #tpu.memory_space<vmem>> -> memref<1x8x1024xf32, #tpu.memory_space<vmem>>
      %dma_wait3A_846 = tpu.memref_squeeze %dma_wait3A_845 : memref<1x8x1024xf32, #tpu.memory_space<vmem>> -> memref<8x1024xf32, #tpu.memory_space<vmem>>
      tpu.wait_dma2 semaphore(%arg19 : memref<!tpu.dma_semaphore, #tpu.memory_space<semaphore_mem>>) src(%dma_wait3A_846 : memref<8x1024xf32, #tpu.memory_space<vmem>>) dst(%dma_wait3A_842 : memref<8x1024xf32, #tpu.memory_space<hbm>>)
      %add3A_847 = arith.constant 8 : i32
      %add3A_848 = arith.addi %add3A_829, %add3A_847 : i32
      %mul3A_849 = arith.constant 8 : i32
      %mul3A_850 = arith.muli %add3A_848, %mul3A_849 : i32
      %multiple_of3A_851 = tpu.assume_multiple %mul3A_850, 8 : i32
      %dma_start3A_852 = arith.constant 4 : i32
      %dma_start3A_853 = arith.constant 0 : i32
      %dma_start3A_854 = arith.constant 0 : i32
      %dma_start3A_855 = tpu.memref_slice %arg6[%dma_start3A_852, %dma_start3A_853, %dma_start3A_854] : memref<8x8x1024xf32, #tpu.memory_space<vmem>> -> memref<1x8x1024xf32, #tpu.memory_space<vmem>>
      %dma_start3A_856 = tpu.memref_squeeze %dma_start3A_855 : memref<1x8x1024xf32, #tpu.memory_space<vmem>> -> memref<8x1024xf32, #tpu.memory_space<vmem>>
      %dma_start3A_857 = tpu.memref_slice %arg5[%multiple_of3A_851] : memref<1024xi32, #tpu.memory_space<vmem>> -> memref<8xi32, #tpu.memory_space<vmem>>
      %dma_start3A_858 = arith.constant 0 : i32
      %dma_start3A_859 = arith.constant 0 : i32
      %dma_start3A_860 = tpu.memref_slice %arg3[%dma_start3A_858, %dma_start3A_859] : memref<8192x1024xf32, #tpu.memory_space<hbm>> -> memref<8192x1024xf32, #tpu.memory_space<hbm>>
      tpu.enqueue_indirect_dma source(%dma_start3A_860 : memref<8192x1024xf32, #tpu.memory_space<hbm>>) target(%dma_start3A_856 : memref<8x1024xf32, #tpu.memory_space<vmem>>) offsets(%dma_start3A_857 : memref<8xi32, #tpu.memory_space<vmem>>) semaphore(%arg11 : memref<!tpu.dma_semaphore, #tpu.memory_space<semaphore_mem>>)
      %mul3A_861 = arith.constant 8 : i32
      %mul3A_862 = arith.muli %scan3A_421, %mul3A_861 : i32
      %add3A_863 = arith.constant 5 : i32
      %add3A_864 = arith.addi %mul3A_862, %add3A_863 : i32
      %mul3A_865 = arith.constant 8 : i32
      %mul3A_866 = arith.muli %add3A_864, %mul3A_865 : i32
      %add3A_867 = arith.addi %mul3A_2, %mul3A_866 : i32
      %multiple_of3A_868 = tpu.assume_multiple %add3A_867, 8 : i32
      %dma_wait3A_869 = arith.constant 5 : i32
      %dma_wait3A_870 = arith.constant 0 : i32
      %dma_wait3A_871 = arith.constant 0 : i32
      %dma_wait3A_872 = tpu.memref_slice %arg6[%dma_wait3A_869, %dma_wait3A_870, %dma_wait3A_871] : memref<8x8x1024xf32, #tpu.memory_space<vmem>> -> memref<1x8x1024xf32, #tpu.memory_space<vmem>>
      %dma_wait3A_873 = tpu.memref_squeeze %dma_wait3A_872 : memref<1x8x1024xf32, #tpu.memory_space<vmem>> -> memref<8x1024xf32, #tpu.memory_space<vmem>>
      %dma_wait3A_874 = arith.constant 0 : i32
      %dma_wait3A_875 = tpu.memref_slice %arg4[%multiple_of3A_868, %dma_wait3A_874] : memref<32768x1024xf32, #tpu.memory_space<hbm>> -> memref<8x1024xf32, #tpu.memory_space<hbm>>
      %dma_wait3A_876 = arith.constant 0 : i32
      %dma_wait3A_877 = tpu.memref_slice %arg4[%multiple_of3A_868, %dma_wait3A_876] : memref<32768x1024xf32, #tpu.memory_space<hbm>> -> memref<8x1024xf32, #tpu.memory_space<hbm>>
      %dma_wait3A_878 = arith.constant 0 : i32
      %dma_wait3A_879 = arith.constant 0 : i32
      %dma_wait3A_880 = tpu.memref_slice %arg6[%dma_wait3A_869, %dma_wait3A_878, %dma_wait3A_879] : memref<8x8x1024xf32, #tpu.memory_space<vmem>> -> memref<1x8x1024xf32, #tpu.memory_space<vmem>>
      %dma_wait3A_881 = tpu.memref_squeeze %dma_wait3A_880 : memref<1x8x1024xf32, #tpu.memory_space<vmem>> -> memref<8x1024xf32, #tpu.memory_space<vmem>>
      tpu.wait_dma2 semaphore(%arg20 : memref<!tpu.dma_semaphore, #tpu.memory_space<semaphore_mem>>) src(%dma_wait3A_881 : memref<8x1024xf32, #tpu.memory_space<vmem>>) dst(%dma_wait3A_877 : memref<8x1024xf32, #tpu.memory_space<hbm>>)
      %add3A_882 = arith.constant 8 : i32
      %add3A_883 = arith.addi %add3A_864, %add3A_882 : i32
      %mul3A_884 = arith.constant 8 : i32
      %mul3A_885 = arith.muli %add3A_883, %mul3A_884 : i32
      %multiple_of3A_886 = tpu.assume_multiple %mul3A_885, 8 : i32
      %dma_start3A_887 = arith.constant 5 : i32
      %dma_start3A_888 = arith.constant 0 : i32
      %dma_start3A_889 = arith.constant 0 : i32
      %dma_start3A_890 = tpu.memref_slice %arg6[%dma_start3A_887, %dma_start3A_888, %dma_start3A_889] : memref<8x8x1024xf32, #tpu.memory_space<vmem>> -> memref<1x8x1024xf32, #tpu.memory_space<vmem>>
      %dma_start3A_891 = tpu.memref_squeeze %dma_start3A_890 : memref<1x8x1024xf32, #tpu.memory_space<vmem>> -> memref<8x1024xf32, #tpu.memory_space<vmem>>
      %dma_start3A_892 = tpu.memref_slice %arg5[%multiple_of3A_886] : memref<1024xi32, #tpu.memory_space<vmem>> -> memref<8xi32, #tpu.memory_space<vmem>>
      %dma_start3A_893 = arith.constant 0 : i32
      %dma_start3A_894 = arith.constant 0 : i32
      %dma_start3A_895 = tpu.memref_slice %arg3[%dma_start3A_893, %dma_start3A_894] : memref<8192x1024xf32, #tpu.memory_space<hbm>> -> memref<8192x1024xf32, #tpu.memory_space<hbm>>
      tpu.enqueue_indirect_dma source(%dma_start3A_895 : memref<8192x1024xf32, #tpu.memory_space<hbm>>) target(%dma_start3A_891 : memref<8x1024xf32, #tpu.memory_space<vmem>>) offsets(%dma_start3A_892 : memref<8xi32, #tpu.memory_space<vmem>>) semaphore(%arg12 : memref<!tpu.dma_semaphore, #tpu.memory_space<semaphore_mem>>)
      %mul3A_896 = arith.constant 8 : i32
      %mul3A_897 = arith.muli %scan3A_421, %mul3A_896 : i32
      %add3A_898 = arith.constant 6 : i32
      %add3A_899 = arith.addi %mul3A_897, %add3A_898 : i32
      %mul3A_900 = arith.constant 8 : i32
      %mul3A_901 = arith.muli %add3A_899, %mul3A_900 : i32
      %add3A_902 = arith.addi %mul3A_2, %mul3A_901 : i32
      %multiple_of3A_903 = tpu.assume_multiple %add3A_902, 8 : i32
      %dma_wait3A_904 = arith.constant 6 : i32
      %dma_wait3A_905 = arith.constant 0 : i32
      %dma_wait3A_906 = arith.constant 0 : i32
      %dma_wait3A_907 = tpu.memref_slice %arg6[%dma_wait3A_904, %dma_wait3A_905, %dma_wait3A_906] : memref<8x8x1024xf32, #tpu.memory_space<vmem>> -> memref<1x8x1024xf32, #tpu.memory_space<vmem>>
      %dma_wait3A_908 = tpu.memref_squeeze %dma_wait3A_907 : memref<1x8x1024xf32, #tpu.memory_space<vmem>> -> memref<8x1024xf32, #tpu.memory_space<vmem>>
      %dma_wait3A_909 = arith.constant 0 : i32
      %dma_wait3A_910 = tpu.memref_slice %arg4[%multiple_of3A_903, %dma_wait3A_909] : memref<32768x1024xf32, #tpu.memory_space<hbm>> -> memref<8x1024xf32, #tpu.memory_space<hbm>>
      %dma_wait3A_911 = arith.constant 0 : i32
      %dma_wait3A_912 = tpu.memref_slice %arg4[%multiple_of3A_903, %dma_wait3A_911] : memref<32768x1024xf32, #tpu.memory_space<hbm>> -> memref<8x1024xf32, #tpu.memory_space<hbm>>
      %dma_wait3A_913 = arith.constant 0 : i32
      %dma_wait3A_914 = arith.constant 0 : i32
      %dma_wait3A_915 = tpu.memref_slice %arg6[%dma_wait3A_904, %dma_wait3A_913, %dma_wait3A_914] : memref<8x8x1024xf32, #tpu.memory_space<vmem>> -> memref<1x8x1024xf32, #tpu.memory_space<vmem>>
      %dma_wait3A_916 = tpu.memref_squeeze %dma_wait3A_915 : memref<1x8x1024xf32, #tpu.memory_space<vmem>> -> memref<8x1024xf32, #tpu.memory_space<vmem>>
      tpu.wait_dma2 semaphore(%arg21 : memref<!tpu.dma_semaphore, #tpu.memory_space<semaphore_mem>>) src(%dma_wait3A_916 : memref<8x1024xf32, #tpu.memory_space<vmem>>) dst(%dma_wait3A_912 : memref<8x1024xf32, #tpu.memory_space<hbm>>)
      %add3A_917 = arith.constant 8 : i32
      %add3A_918 = arith.addi %add3A_899, %add3A_917 : i32
      %mul3A_919 = arith.constant 8 : i32
      %mul3A_920 = arith.muli %add3A_918, %mul3A_919 : i32
      %multiple_of3A_921 = tpu.assume_multiple %mul3A_920, 8 : i32
      %dma_start3A_922 = arith.constant 6 : i32
      %dma_start3A_923 = arith.constant 0 : i32
      %dma_start3A_924 = arith.constant 0 : i32
      %dma_start3A_925 = tpu.memref_slice %arg6[%dma_start3A_922, %dma_start3A_923, %dma_start3A_924] : memref<8x8x1024xf32, #tpu.memory_space<vmem>> -> memref<1x8x1024xf32, #tpu.memory_space<vmem>>
      %dma_start3A_926 = tpu.memref_squeeze %dma_start3A_925 : memref<1x8x1024xf32, #tpu.memory_space<vmem>> -> memref<8x1024xf32, #tpu.memory_space<vmem>>
      %dma_start3A_927 = tpu.memref_slice %arg5[%multiple_of3A_921] : memref<1024xi32, #tpu.memory_space<vmem>> -> memref<8xi32, #tpu.memory_space<vmem>>
      %dma_start3A_928 = arith.constant 0 : i32
      %dma_start3A_929 = arith.constant 0 : i32
      %dma_start3A_930 = tpu.memref_slice %arg3[%dma_start3A_928, %dma_start3A_929] : memref<8192x1024xf32, #tpu.memory_space<hbm>> -> memref<8192x1024xf32, #tpu.memory_space<hbm>>
      tpu.enqueue_indirect_dma source(%dma_start3A_930 : memref<8192x1024xf32, #tpu.memory_space<hbm>>) target(%dma_start3A_926 : memref<8x1024xf32, #tpu.memory_space<vmem>>) offsets(%dma_start3A_927 : memref<8xi32, #tpu.memory_space<vmem>>) semaphore(%arg13 : memref<!tpu.dma_semaphore, #tpu.memory_space<semaphore_mem>>)
      %mul3A_931 = arith.constant 8 : i32
      %mul3A_932 = arith.muli %scan3A_421, %mul3A_931 : i32
      %add3A_933 = arith.constant 7 : i32
      %add3A_934 = arith.addi %mul3A_932, %add3A_933 : i32
      %mul3A_935 = arith.constant 8 : i32
      %mul3A_936 = arith.muli %add3A_934, %mul3A_935 : i32
      %add3A_937 = arith.addi %mul3A_2, %mul3A_936 : i32
      %multiple_of3A_938 = tpu.assume_multiple %add3A_937, 8 : i32
      %dma_wait3A_939 = arith.constant 7 : i32
      %dma_wait3A_940 = arith.constant 0 : i32
      %dma_wait3A_941 = arith.constant 0 : i32
      %dma_wait3A_942 = tpu.memref_slice %arg6[%dma_wait3A_939, %dma_wait3A_940, %dma_wait3A_941] : memref<8x8x1024xf32, #tpu.memory_space<vmem>> -> memref<1x8x1024xf32, #tpu.memory_space<vmem>>
      %dma_wait3A_943 = tpu.memref_squeeze %dma_wait3A_942 : memref<1x8x1024xf32, #tpu.memory_space<vmem>> -> memref<8x1024xf32, #tpu.memory_space<vmem>>
      %dma_wait3A_944 = arith.constant 0 : i32
      %dma_wait3A_945 = tpu.memref_slice %arg4[%multiple_of3A_938, %dma_wait3A_944] : memref<32768x1024xf32, #tpu.memory_space<hbm>> -> memref<8x1024xf32, #tpu.memory_space<hbm>>
      %dma_wait3A_946 = arith.constant 0 : i32
      %dma_wait3A_947 = tpu.memref_slice %arg4[%multiple_of3A_938, %dma_wait3A_946] : memref<32768x1024xf32, #tpu.memory_space<hbm>> -> memref<8x1024xf32, #tpu.memory_space<hbm>>
      %dma_wait3A_948 = arith.constant 0 : i32
      %dma_wait3A_949 = arith.constant 0 : i32
      %dma_wait3A_950 = tpu.memref_slice %arg6[%dma_wait3A_939, %dma_wait3A_948, %dma_wait3A_949] : memref<8x8x1024xf32, #tpu.memory_space<vmem>> -> memref<1x8x1024xf32, #tpu.memory_space<vmem>>
      %dma_wait3A_951 = tpu.memref_squeeze %dma_wait3A_950 : memref<1x8x1024xf32, #tpu.memory_space<vmem>> -> memref<8x1024xf32, #tpu.memory_space<vmem>>
      tpu.wait_dma2 semaphore(%arg22 : memref<!tpu.dma_semaphore, #tpu.memory_space<semaphore_mem>>) src(%dma_wait3A_951 : memref<8x1024xf32, #tpu.memory_space<vmem>>) dst(%dma_wait3A_947 : memref<8x1024xf32, #tpu.memory_space<hbm>>)
      %add3A_952 = arith.constant 8 : i32
      %add3A_953 = arith.addi %add3A_934, %add3A_952 : i32
      %mul3A_954 = arith.constant 8 : i32
      %mul3A_955 = arith.muli %add3A_953, %mul3A_954 : i32
      %multiple_of3A_956 = tpu.assume_multiple %mul3A_955, 8 : i32
      %dma_start3A_957 = arith.constant 7 : i32
      %dma_start3A_958 = arith.constant 0 : i32
      %dma_start3A_959 = arith.constant 0 : i32
      %dma_start3A_960 = tpu.memref_slice %arg6[%dma_start3A_957, %dma_start3A_958, %dma_start3A_959] : memref<8x8x1024xf32, #tpu.memory_space<vmem>> -> memref<1x8x1024xf32, #tpu.memory_space<vmem>>
      %dma_start3A_961 = tpu.memref_squeeze %dma_start3A_960 : memref<1x8x1024xf32, #tpu.memory_space<vmem>> -> memref<8x1024xf32, #tpu.memory_space<vmem>>
      %dma_start3A_962 = tpu.memref_slice %arg5[%multiple_of3A_956] : memref<1024xi32, #tpu.memory_space<vmem>> -> memref<8xi32, #tpu.memory_space<vmem>>
      %dma_start3A_963 = arith.constant 0 : i32
      %dma_start3A_964 = arith.constant 0 : i32
      %dma_start3A_965 = tpu.memref_slice %arg3[%dma_start3A_963, %dma_start3A_964] : memref<8192x1024xf32, #tpu.memory_space<hbm>> -> memref<8192x1024xf32, #tpu.memory_space<hbm>>
      tpu.enqueue_indirect_dma source(%dma_start3A_965 : memref<8192x1024xf32, #tpu.memory_space<hbm>>) target(%dma_start3A_961 : memref<8x1024xf32, #tpu.memory_space<vmem>>) offsets(%dma_start3A_962 : memref<8xi32, #tpu.memory_space<vmem>>) semaphore(%arg14 : memref<!tpu.dma_semaphore, #tpu.memory_space<semaphore_mem>>)
    }
    %scan3A_86 = arith.constant 15 : i32
    %dma_wait3A = arith.constant 0 : i32
    %dma_wait3A_87 = arith.constant 0 : i32
    %dma_wait3A_88 = arith.constant 0 : i32
    %dma_wait3A_89 = tpu.memref_slice %arg6[%dma_wait3A, %dma_wait3A_87, %dma_wait3A_88] : memref<8x8x1024xf32, #tpu.memory_space<vmem>> -> memref<1x8x1024xf32, #tpu.memory_space<vmem>>
    %dma_wait3A_90 = tpu.memref_squeeze %dma_wait3A_89 : memref<1x8x1024xf32, #tpu.memory_space<vmem>> -> memref<8x1024xf32, #tpu.memory_space<vmem>>
    %dma_wait3A_91 = arith.constant 960 : i32
    %dma_wait3A_92 = tpu.memref_slice %arg5[%dma_wait3A_91] : memref<1024xi32, #tpu.memory_space<vmem>> -> memref<8xi32, #tpu.memory_space<vmem>>
    %dma_wait3A_93 = arith.constant 0 : i32
    %dma_wait3A_94 = arith.constant 0 : i32
    %dma_wait3A_95 = tpu.memref_slice %arg3[%dma_wait3A_93, %dma_wait3A_94] : memref<8192x1024xf32, #tpu.memory_space<hbm>> -> memref<8192x1024xf32, #tpu.memory_space<hbm>>
    tpu.wait_indirect_dma semaphore(%arg7 : memref<!tpu.dma_semaphore, #tpu.memory_space<semaphore_mem>>) src(%dma_wait3A_95 : memref<8192x1024xf32, #tpu.memory_space<hbm>>) dst(%dma_wait3A_90 : memref<8x1024xf32, #tpu.memory_space<vmem>>)
    %add3A_96 = arith.constant 960 : i32
    %add3A_97 = arith.addi %mul3A_2, %add3A_96 : i32
    %multiple_of3A = tpu.assume_multiple %add3A_97, 8 : i32
    %dma_start3A_98 = arith.constant 0 : i32
    %dma_start3A_99 = arith.constant 0 : i32
    %dma_start3A_100 = arith.constant 0 : i32
    %dma_start3A_101 = tpu.memref_slice %arg6[%dma_start3A_98, %dma_start3A_99, %dma_start3A_100] : memref<8x8x1024xf32, #tpu.memory_space<vmem>> -> memref<1x8x1024xf32, #tpu.memory_space<vmem>>
    %dma_start3A_102 = tpu.memref_squeeze %dma_start3A_101 : memref<1x8x1024xf32, #tpu.memory_space<vmem>> -> memref<8x1024xf32, #tpu.memory_space<vmem>>
    %dma_start3A_103 = arith.constant 0 : i32
    %dma_start3A_104 = tpu.memref_slice %arg4[%multiple_of3A, %dma_start3A_103] : memref<32768x1024xf32, #tpu.memory_space<hbm>> -> memref<8x1024xf32, #tpu.memory_space<hbm>>
    %dma_start3A_105 = arith.constant 0 : i32
    %dma_start3A_106 = tpu.memref_slice %arg4[%multiple_of3A, %dma_start3A_105] : memref<32768x1024xf32, #tpu.memory_space<hbm>> -> memref<8x1024xf32, #tpu.memory_space<hbm>>
    %dma_start3A_107 = arith.constant 0 : i32
    %dma_start3A_108 = arith.constant 0 : i32
    %dma_start3A_109 = tpu.memref_slice %arg6[%dma_start3A_98, %dma_start3A_107, %dma_start3A_108] : memref<8x8x1024xf32, #tpu.memory_space<vmem>> -> memref<1x8x1024xf32, #tpu.memory_space<vmem>>
    %dma_start3A_110 = tpu.memref_squeeze %dma_start3A_109 : memref<1x8x1024xf32, #tpu.memory_space<vmem>> -> memref<8x1024xf32, #tpu.memory_space<vmem>>
    tpu.enqueue_dma source(%dma_start3A_110 : memref<8x1024xf32, #tpu.memory_space<vmem>>) target(%dma_start3A_106 : memref<8x1024xf32, #tpu.memory_space<hbm>>) target_semaphore(%arg15 : memref<!tpu.dma_semaphore, #tpu.memory_space<semaphore_mem>>)
    %dma_wait3A_111 = arith.constant 1 : i32
    %dma_wait3A_112 = arith.constant 0 : i32
    %dma_wait3A_113 = arith.constant 0 : i32
    %dma_wait3A_114 = tpu.memref_slice %arg6[%dma_wait3A_111, %dma_wait3A_112, %dma_wait3A_113] : memref<8x8x1024xf32, #tpu.memory_space<vmem>> -> memref<1x8x1024xf32, #tpu.memory_space<vmem>>
    %dma_wait3A_115 = tpu.memref_squeeze %dma_wait3A_114 : memref<1x8x1024xf32, #tpu.memory_space<vmem>> -> memref<8x1024xf32, #tpu.memory_space<vmem>>
    %dma_wait3A_116 = arith.constant 968 : i32
    %dma_wait3A_117 = tpu.memref_slice %arg5[%dma_wait3A_116] : memref<1024xi32, #tpu.memory_space<vmem>> -> memref<8xi32, #tpu.memory_space<vmem>>
    %dma_wait3A_118 = arith.constant 0 : i32
    %dma_wait3A_119 = arith.constant 0 : i32
    %dma_wait3A_120 = tpu.memref_slice %arg3[%dma_wait3A_118, %dma_wait3A_119] : memref<8192x1024xf32, #tpu.memory_space<hbm>> -> memref<8192x1024xf32, #tpu.memory_space<hbm>>
    tpu.wait_indirect_dma semaphore(%arg8 : memref<!tpu.dma_semaphore, #tpu.memory_space<semaphore_mem>>) src(%dma_wait3A_120 : memref<8192x1024xf32, #tpu.memory_space<hbm>>) dst(%dma_wait3A_115 : memref<8x1024xf32, #tpu.memory_space<vmem>>)
    %add3A_121 = arith.constant 968 : i32
    %add3A_122 = arith.addi %mul3A_2, %add3A_121 : i32
    %multiple_of3A_123 = tpu.assume_multiple %add3A_122, 8 : i32
    %dma_start3A_124 = arith.constant 1 : i32
    %dma_start3A_125 = arith.constant 0 : i32
    %dma_start3A_126 = arith.constant 0 : i32
    %dma_start3A_127 = tpu.memref_slice %arg6[%dma_start3A_124, %dma_start3A_125, %dma_start3A_126] : memref<8x8x1024xf32, #tpu.memory_space<vmem>> -> memref<1x8x1024xf32, #tpu.memory_space<vmem>>
    %dma_start3A_128 = tpu.memref_squeeze %dma_start3A_127 : memref<1x8x1024xf32, #tpu.memory_space<vmem>> -> memref<8x1024xf32, #tpu.memory_space<vmem>>
    %dma_start3A_129 = arith.constant 0 : i32
    %dma_start3A_130 = tpu.memref_slice %arg4[%multiple_of3A_123, %dma_start3A_129] : memref<32768x1024xf32, #tpu.memory_space<hbm>> -> memref<8x1024xf32, #tpu.memory_space<hbm>>
    %dma_start3A_131 = arith.constant 0 : i32
    %dma_start3A_132 = tpu.memref_slice %arg4[%multiple_of3A_123, %dma_start3A_131] : memref<32768x1024xf32, #tpu.memory_space<hbm>> -> memref<8x1024xf32, #tpu.memory_space<hbm>>
    %dma_start3A_133 = arith.constant 0 : i32
    %dma_start3A_134 = arith.constant 0 : i32
    %dma_start3A_135 = tpu.memref_slice %arg6[%dma_start3A_124, %dma_start3A_133, %dma_start3A_134] : memref<8x8x1024xf32, #tpu.memory_space<vmem>> -> memref<1x8x1024xf32, #tpu.memory_space<vmem>>
    %dma_start3A_136 = tpu.memref_squeeze %dma_start3A_135 : memref<1x8x1024xf32, #tpu.memory_space<vmem>> -> memref<8x1024xf32, #tpu.memory_space<vmem>>
    tpu.enqueue_dma source(%dma_start3A_136 : memref<8x1024xf32, #tpu.memory_space<vmem>>) target(%dma_start3A_132 : memref<8x1024xf32, #tpu.memory_space<hbm>>) target_semaphore(%arg16 : memref<!tpu.dma_semaphore, #tpu.memory_space<semaphore_mem>>)
    %dma_wait3A_137 = arith.constant 2 : i32
    %dma_wait3A_138 = arith.constant 0 : i32
    %dma_wait3A_139 = arith.constant 0 : i32
    %dma_wait3A_140 = tpu.memref_slice %arg6[%dma_wait3A_137, %dma_wait3A_138, %dma_wait3A_139] : memref<8x8x1024xf32, #tpu.memory_space<vmem>> -> memref<1x8x1024xf32, #tpu.memory_space<vmem>>
    %dma_wait3A_141 = tpu.memref_squeeze %dma_wait3A_140 : memref<1x8x1024xf32, #tpu.memory_space<vmem>> -> memref<8x1024xf32, #tpu.memory_space<vmem>>
    %dma_wait3A_142 = arith.constant 976 : i32
    %dma_wait3A_143 = tpu.memref_slice %arg5[%dma_wait3A_142] : memref<1024xi32, #tpu.memory_space<vmem>> -> memref<8xi32, #tpu.memory_space<vmem>>
    %dma_wait3A_144 = arith.constant 0 : i32
    %dma_wait3A_145 = arith.constant 0 : i32
    %dma_wait3A_146 = tpu.memref_slice %arg3[%dma_wait3A_144, %dma_wait3A_145] : memref<8192x1024xf32, #tpu.memory_space<hbm>> -> memref<8192x1024xf32, #tpu.memory_space<hbm>>
    tpu.wait_indirect_dma semaphore(%arg9 : memref<!tpu.dma_semaphore, #tpu.memory_space<semaphore_mem>>) src(%dma_wait3A_146 : memref<8192x1024xf32, #tpu.memory_space<hbm>>) dst(%dma_wait3A_141 : memref<8x1024xf32, #tpu.memory_space<vmem>>)
    %add3A_147 = arith.constant 976 : i32
    %add3A_148 = arith.addi %mul3A_2, %add3A_147 : i32
    %multiple_of3A_149 = tpu.assume_multiple %add3A_148, 8 : i32
    %dma_start3A_150 = arith.constant 2 : i32
    %dma_start3A_151 = arith.constant 0 : i32
    %dma_start3A_152 = arith.constant 0 : i32
    %dma_start3A_153 = tpu.memref_slice %arg6[%dma_start3A_150, %dma_start3A_151, %dma_start3A_152] : memref<8x8x1024xf32, #tpu.memory_space<vmem>> -> memref<1x8x1024xf32, #tpu.memory_space<vmem>>
    %dma_start3A_154 = tpu.memref_squeeze %dma_start3A_153 : memref<1x8x1024xf32, #tpu.memory_space<vmem>> -> memref<8x1024xf32, #tpu.memory_space<vmem>>
    %dma_start3A_155 = arith.constant 0 : i32
    %dma_start3A_156 = tpu.memref_slice %arg4[%multiple_of3A_149, %dma_start3A_155] : memref<32768x1024xf32, #tpu.memory_space<hbm>> -> memref<8x1024xf32, #tpu.memory_space<hbm>>
    %dma_start3A_157 = arith.constant 0 : i32
    %dma_start3A_158 = tpu.memref_slice %arg4[%multiple_of3A_149, %dma_start3A_157] : memref<32768x1024xf32, #tpu.memory_space<hbm>> -> memref<8x1024xf32, #tpu.memory_space<hbm>>
    %dma_start3A_159 = arith.constant 0 : i32
    %dma_start3A_160 = arith.constant 0 : i32
    %dma_start3A_161 = tpu.memref_slice %arg6[%dma_start3A_150, %dma_start3A_159, %dma_start3A_160] : memref<8x8x1024xf32, #tpu.memory_space<vmem>> -> memref<1x8x1024xf32, #tpu.memory_space<vmem>>
    %dma_start3A_162 = tpu.memref_squeeze %dma_start3A_161 : memref<1x8x1024xf32, #tpu.memory_space<vmem>> -> memref<8x1024xf32, #tpu.memory_space<vmem>>
    tpu.enqueue_dma source(%dma_start3A_162 : memref<8x1024xf32, #tpu.memory_space<vmem>>) target(%dma_start3A_158 : memref<8x1024xf32, #tpu.memory_space<hbm>>) target_semaphore(%arg17 : memref<!tpu.dma_semaphore, #tpu.memory_space<semaphore_mem>>)
    %dma_wait3A_163 = arith.constant 3 : i32
    %dma_wait3A_164 = arith.constant 0 : i32
    %dma_wait3A_165 = arith.constant 0 : i32
    %dma_wait3A_166 = tpu.memref_slice %arg6[%dma_wait3A_163, %dma_wait3A_164, %dma_wait3A_165] : memref<8x8x1024xf32, #tpu.memory_space<vmem>> -> memref<1x8x1024xf32, #tpu.memory_space<vmem>>
    %dma_wait3A_167 = tpu.memref_squeeze %dma_wait3A_166 : memref<1x8x1024xf32, #tpu.memory_space<vmem>> -> memref<8x1024xf32, #tpu.memory_space<vmem>>
    %dma_wait3A_168 = arith.constant 984 : i32
    %dma_wait3A_169 = tpu.memref_slice %arg5[%dma_wait3A_168] : memref<1024xi32, #tpu.memory_space<vmem>> -> memref<8xi32, #tpu.memory_space<vmem>>
    %dma_wait3A_170 = arith.constant 0 : i32
    %dma_wait3A_171 = arith.constant 0 : i32
    %dma_wait3A_172 = tpu.memref_slice %arg3[%dma_wait3A_170, %dma_wait3A_171] : memref<8192x1024xf32, #tpu.memory_space<hbm>> -> memref<8192x1024xf32, #tpu.memory_space<hbm>>
    tpu.wait_indirect_dma semaphore(%arg10 : memref<!tpu.dma_semaphore, #tpu.memory_space<semaphore_mem>>) src(%dma_wait3A_172 : memref<8192x1024xf32, #tpu.memory_space<hbm>>) dst(%dma_wait3A_167 : memref<8x1024xf32, #tpu.memory_space<vmem>>)
    %add3A_173 = arith.constant 984 : i32
    %add3A_174 = arith.addi %mul3A_2, %add3A_173 : i32
    %multiple_of3A_175 = tpu.assume_multiple %add3A_174, 8 : i32
    %dma_start3A_176 = arith.constant 3 : i32
    %dma_start3A_177 = arith.constant 0 : i32
    %dma_start3A_178 = arith.constant 0 : i32
    %dma_start3A_179 = tpu.memref_slice %arg6[%dma_start3A_176, %dma_start3A_177, %dma_start3A_178] : memref<8x8x1024xf32, #tpu.memory_space<vmem>> -> memref<1x8x1024xf32, #tpu.memory_space<vmem>>
    %dma_start3A_180 = tpu.memref_squeeze %dma_start3A_179 : memref<1x8x1024xf32, #tpu.memory_space<vmem>> -> memref<8x1024xf32, #tpu.memory_space<vmem>>
    %dma_start3A_181 = arith.constant 0 : i32
    %dma_start3A_182 = tpu.memref_slice %arg4[%multiple_of3A_175, %dma_start3A_181] : memref<32768x1024xf32, #tpu.memory_space<hbm>> -> memref<8x1024xf32, #tpu.memory_space<hbm>>
    %dma_start3A_183 = arith.constant 0 : i32
    %dma_start3A_184 = tpu.memref_slice %arg4[%multiple_of3A_175, %dma_start3A_183] : memref<32768x1024xf32, #tpu.memory_space<hbm>> -> memref<8x1024xf32, #tpu.memory_space<hbm>>
    %dma_start3A_185 = arith.constant 0 : i32
    %dma_start3A_186 = arith.constant 0 : i32
    %dma_start3A_187 = tpu.memref_slice %arg6[%dma_start3A_176, %dma_start3A_185, %dma_start3A_186] : memref<8x8x1024xf32, #tpu.memory_space<vmem>> -> memref<1x8x1024xf32, #tpu.memory_space<vmem>>
    %dma_start3A_188 = tpu.memref_squeeze %dma_start3A_187 : memref<1x8x1024xf32, #tpu.memory_space<vmem>> -> memref<8x1024xf32, #tpu.memory_space<vmem>>
    tpu.enqueue_dma source(%dma_start3A_188 : memref<8x1024xf32, #tpu.memory_space<vmem>>) target(%dma_start3A_184 : memref<8x1024xf32, #tpu.memory_space<hbm>>) target_semaphore(%arg18 : memref<!tpu.dma_semaphore, #tpu.memory_space<semaphore_mem>>)
    %dma_wait3A_189 = arith.constant 4 : i32
    %dma_wait3A_190 = arith.constant 0 : i32
    %dma_wait3A_191 = arith.constant 0 : i32
    %dma_wait3A_192 = tpu.memref_slice %arg6[%dma_wait3A_189, %dma_wait3A_190, %dma_wait3A_191] : memref<8x8x1024xf32, #tpu.memory_space<vmem>> -> memref<1x8x1024xf32, #tpu.memory_space<vmem>>
    %dma_wait3A_193 = tpu.memref_squeeze %dma_wait3A_192 : memref<1x8x1024xf32, #tpu.memory_space<vmem>> -> memref<8x1024xf32, #tpu.memory_space<vmem>>
    %dma_wait3A_194 = arith.constant 992 : i32
    %dma_wait3A_195 = tpu.memref_slice %arg5[%dma_wait3A_194] : memref<1024xi32, #tpu.memory_space<vmem>> -> memref<8xi32, #tpu.memory_space<vmem>>
    %dma_wait3A_196 = arith.constant 0 : i32
    %dma_wait3A_197 = arith.constant 0 : i32
    %dma_wait3A_198 = tpu.memref_slice %arg3[%dma_wait3A_196, %dma_wait3A_197] : memref<8192x1024xf32, #tpu.memory_space<hbm>> -> memref<8192x1024xf32, #tpu.memory_space<hbm>>
    tpu.wait_indirect_dma semaphore(%arg11 : memref<!tpu.dma_semaphore, #tpu.memory_space<semaphore_mem>>) src(%dma_wait3A_198 : memref<8192x1024xf32, #tpu.memory_space<hbm>>) dst(%dma_wait3A_193 : memref<8x1024xf32, #tpu.memory_space<vmem>>)
    %add3A_199 = arith.constant 992 : i32
    %add3A_200 = arith.addi %mul3A_2, %add3A_199 : i32
    %multiple_of3A_201 = tpu.assume_multiple %add3A_200, 8 : i32
    %dma_start3A_202 = arith.constant 4 : i32
    %dma_start3A_203 = arith.constant 0 : i32
    %dma_start3A_204 = arith.constant 0 : i32
    %dma_start3A_205 = tpu.memref_slice %arg6[%dma_start3A_202, %dma_start3A_203, %dma_start3A_204] : memref<8x8x1024xf32, #tpu.memory_space<vmem>> -> memref<1x8x1024xf32, #tpu.memory_space<vmem>>
    %dma_start3A_206 = tpu.memref_squeeze %dma_start3A_205 : memref<1x8x1024xf32, #tpu.memory_space<vmem>> -> memref<8x1024xf32, #tpu.memory_space<vmem>>
    %dma_start3A_207 = arith.constant 0 : i32
    %dma_start3A_208 = tpu.memref_slice %arg4[%multiple_of3A_201, %dma_start3A_207] : memref<32768x1024xf32, #tpu.memory_space<hbm>> -> memref<8x1024xf32, #tpu.memory_space<hbm>>
    %dma_start3A_209 = arith.constant 0 : i32
    %dma_start3A_210 = tpu.memref_slice %arg4[%multiple_of3A_201, %dma_start3A_209] : memref<32768x1024xf32, #tpu.memory_space<hbm>> -> memref<8x1024xf32, #tpu.memory_space<hbm>>
    %dma_start3A_211 = arith.constant 0 : i32
    %dma_start3A_212 = arith.constant 0 : i32
    %dma_start3A_213 = tpu.memref_slice %arg6[%dma_start3A_202, %dma_start3A_211, %dma_start3A_212] : memref<8x8x1024xf32, #tpu.memory_space<vmem>> -> memref<1x8x1024xf32, #tpu.memory_space<vmem>>
    %dma_start3A_214 = tpu.memref_squeeze %dma_start3A_213 : memref<1x8x1024xf32, #tpu.memory_space<vmem>> -> memref<8x1024xf32, #tpu.memory_space<vmem>>
    tpu.enqueue_dma source(%dma_start3A_214 : memref<8x1024xf32, #tpu.memory_space<vmem>>) target(%dma_start3A_210 : memref<8x1024xf32, #tpu.memory_space<hbm>>) target_semaphore(%arg19 : memref<!tpu.dma_semaphore, #tpu.memory_space<semaphore_mem>>)
    %dma_wait3A_215 = arith.constant 5 : i32
    %dma_wait3A_216 = arith.constant 0 : i32
    %dma_wait3A_217 = arith.constant 0 : i32
    %dma_wait3A_218 = tpu.memref_slice %arg6[%dma_wait3A_215, %dma_wait3A_216, %dma_wait3A_217] : memref<8x8x1024xf32, #tpu.memory_space<vmem>> -> memref<1x8x1024xf32, #tpu.memory_space<vmem>>
    %dma_wait3A_219 = tpu.memref_squeeze %dma_wait3A_218 : memref<1x8x1024xf32, #tpu.memory_space<vmem>> -> memref<8x1024xf32, #tpu.memory_space<vmem>>
    %dma_wait3A_220 = arith.constant 1000 : i32
    %dma_wait3A_221 = tpu.memref_slice %arg5[%dma_wait3A_220] : memref<1024xi32, #tpu.memory_space<vmem>> -> memref<8xi32, #tpu.memory_space<vmem>>
    %dma_wait3A_222 = arith.constant 0 : i32
    %dma_wait3A_223 = arith.constant 0 : i32
    %dma_wait3A_224 = tpu.memref_slice %arg3[%dma_wait3A_222, %dma_wait3A_223] : memref<8192x1024xf32, #tpu.memory_space<hbm>> -> memref<8192x1024xf32, #tpu.memory_space<hbm>>
    tpu.wait_indirect_dma semaphore(%arg12 : memref<!tpu.dma_semaphore, #tpu.memory_space<semaphore_mem>>) src(%dma_wait3A_224 : memref<8192x1024xf32, #tpu.memory_space<hbm>>) dst(%dma_wait3A_219 : memref<8x1024xf32, #tpu.memory_space<vmem>>)
    %add3A_225 = arith.constant 1000 : i32
    %add3A_226 = arith.addi %mul3A_2, %add3A_225 : i32
    %multiple_of3A_227 = tpu.assume_multiple %add3A_226, 8 : i32
    %dma_start3A_228 = arith.constant 5 : i32
    %dma_start3A_229 = arith.constant 0 : i32
    %dma_start3A_230 = arith.constant 0 : i32
    %dma_start3A_231 = tpu.memref_slice %arg6[%dma_start3A_228, %dma_start3A_229, %dma_start3A_230] : memref<8x8x1024xf32, #tpu.memory_space<vmem>> -> memref<1x8x1024xf32, #tpu.memory_space<vmem>>
    %dma_start3A_232 = tpu.memref_squeeze %dma_start3A_231 : memref<1x8x1024xf32, #tpu.memory_space<vmem>> -> memref<8x1024xf32, #tpu.memory_space<vmem>>
    %dma_start3A_233 = arith.constant 0 : i32
    %dma_start3A_234 = tpu.memref_slice %arg4[%multiple_of3A_227, %dma_start3A_233] : memref<32768x1024xf32, #tpu.memory_space<hbm>> -> memref<8x1024xf32, #tpu.memory_space<hbm>>
    %dma_start3A_235 = arith.constant 0 : i32
    %dma_start3A_236 = tpu.memref_slice %arg4[%multiple_of3A_227, %dma_start3A_235] : memref<32768x1024xf32, #tpu.memory_space<hbm>> -> memref<8x1024xf32, #tpu.memory_space<hbm>>
    %dma_start3A_237 = arith.constant 0 : i32
    %dma_start3A_238 = arith.constant 0 : i32
    %dma_start3A_239 = tpu.memref_slice %arg6[%dma_start3A_228, %dma_start3A_237, %dma_start3A_238] : memref<8x8x1024xf32, #tpu.memory_space<vmem>> -> memref<1x8x1024xf32, #tpu.memory_space<vmem>>
    %dma_start3A_240 = tpu.memref_squeeze %dma_start3A_239 : memref<1x8x1024xf32, #tpu.memory_space<vmem>> -> memref<8x1024xf32, #tpu.memory_space<vmem>>
    tpu.enqueue_dma source(%dma_start3A_240 : memref<8x1024xf32, #tpu.memory_space<vmem>>) target(%dma_start3A_236 : memref<8x1024xf32, #tpu.memory_space<hbm>>) target_semaphore(%arg20 : memref<!tpu.dma_semaphore, #tpu.memory_space<semaphore_mem>>)
    %dma_wait3A_241 = arith.constant 6 : i32
    %dma_wait3A_242 = arith.constant 0 : i32
    %dma_wait3A_243 = arith.constant 0 : i32
    %dma_wait3A_244 = tpu.memref_slice %arg6[%dma_wait3A_241, %dma_wait3A_242, %dma_wait3A_243] : memref<8x8x1024xf32, #tpu.memory_space<vmem>> -> memref<1x8x1024xf32, #tpu.memory_space<vmem>>
    %dma_wait3A_245 = tpu.memref_squeeze %dma_wait3A_244 : memref<1x8x1024xf32, #tpu.memory_space<vmem>> -> memref<8x1024xf32, #tpu.memory_space<vmem>>
    %dma_wait3A_246 = arith.constant 1008 : i32
    %dma_wait3A_247 = tpu.memref_slice %arg5[%dma_wait3A_246] : memref<1024xi32, #tpu.memory_space<vmem>> -> memref<8xi32, #tpu.memory_space<vmem>>
    %dma_wait3A_248 = arith.constant 0 : i32
    %dma_wait3A_249 = arith.constant 0 : i32
    %dma_wait3A_250 = tpu.memref_slice %arg3[%dma_wait3A_248, %dma_wait3A_249] : memref<8192x1024xf32, #tpu.memory_space<hbm>> -> memref<8192x1024xf32, #tpu.memory_space<hbm>>
    tpu.wait_indirect_dma semaphore(%arg13 : memref<!tpu.dma_semaphore, #tpu.memory_space<semaphore_mem>>) src(%dma_wait3A_250 : memref<8192x1024xf32, #tpu.memory_space<hbm>>) dst(%dma_wait3A_245 : memref<8x1024xf32, #tpu.memory_space<vmem>>)
    %add3A_251 = arith.constant 1008 : i32
    %add3A_252 = arith.addi %mul3A_2, %add3A_251 : i32
    %multiple_of3A_253 = tpu.assume_multiple %add3A_252, 8 : i32
    %dma_start3A_254 = arith.constant 6 : i32
    %dma_start3A_255 = arith.constant 0 : i32
    %dma_start3A_256 = arith.constant 0 : i32
    %dma_start3A_257 = tpu.memref_slice %arg6[%dma_start3A_254, %dma_start3A_255, %dma_start3A_256] : memref<8x8x1024xf32, #tpu.memory_space<vmem>> -> memref<1x8x1024xf32, #tpu.memory_space<vmem>>
    %dma_start3A_258 = tpu.memref_squeeze %dma_start3A_257 : memref<1x8x1024xf32, #tpu.memory_space<vmem>> -> memref<8x1024xf32, #tpu.memory_space<vmem>>
    %dma_start3A_259 = arith.constant 0 : i32
    %dma_start3A_260 = tpu.memref_slice %arg4[%multiple_of3A_253, %dma_start3A_259] : memref<32768x1024xf32, #tpu.memory_space<hbm>> -> memref<8x1024xf32, #tpu.memory_space<hbm>>
    %dma_start3A_261 = arith.constant 0 : i32
    %dma_start3A_262 = tpu.memref_slice %arg4[%multiple_of3A_253, %dma_start3A_261] : memref<32768x1024xf32, #tpu.memory_space<hbm>> -> memref<8x1024xf32, #tpu.memory_space<hbm>>
    %dma_start3A_263 = arith.constant 0 : i32
    %dma_start3A_264 = arith.constant 0 : i32
    %dma_start3A_265 = tpu.memref_slice %arg6[%dma_start3A_254, %dma_start3A_263, %dma_start3A_264] : memref<8x8x1024xf32, #tpu.memory_space<vmem>> -> memref<1x8x1024xf32, #tpu.memory_space<vmem>>
    %dma_start3A_266 = tpu.memref_squeeze %dma_start3A_265 : memref<1x8x1024xf32, #tpu.memory_space<vmem>> -> memref<8x1024xf32, #tpu.memory_space<vmem>>
    tpu.enqueue_dma source(%dma_start3A_266 : memref<8x1024xf32, #tpu.memory_space<vmem>>) target(%dma_start3A_262 : memref<8x1024xf32, #tpu.memory_space<hbm>>) target_semaphore(%arg21 : memref<!tpu.dma_semaphore, #tpu.memory_space<semaphore_mem>>)
    %dma_wait3A_267 = arith.constant 7 : i32
    %dma_wait3A_268 = arith.constant 0 : i32
    %dma_wait3A_269 = arith.constant 0 : i32
    %dma_wait3A_270 = tpu.memref_slice %arg6[%dma_wait3A_267, %dma_wait3A_268, %dma_wait3A_269] : memref<8x8x1024xf32, #tpu.memory_space<vmem>> -> memref<1x8x1024xf32, #tpu.memory_space<vmem>>
    %dma_wait3A_271 = tpu.memref_squeeze %dma_wait3A_270 : memref<1x8x1024xf32, #tpu.memory_space<vmem>> -> memref<8x1024xf32, #tpu.memory_space<vmem>>
    %dma_wait3A_272 = arith.constant 1016 : i32
    %dma_wait3A_273 = tpu.memref_slice %arg5[%dma_wait3A_272] : memref<1024xi32, #tpu.memory_space<vmem>> -> memref<8xi32, #tpu.memory_space<vmem>>
    %dma_wait3A_274 = arith.constant 0 : i32
    %dma_wait3A_275 = arith.constant 0 : i32
    %dma_wait3A_276 = tpu.memref_slice %arg3[%dma_wait3A_274, %dma_wait3A_275] : memref<8192x1024xf32, #tpu.memory_space<hbm>> -> memref<8192x1024xf32, #tpu.memory_space<hbm>>
    tpu.wait_indirect_dma semaphore(%arg14 : memref<!tpu.dma_semaphore, #tpu.memory_space<semaphore_mem>>) src(%dma_wait3A_276 : memref<8192x1024xf32, #tpu.memory_space<hbm>>) dst(%dma_wait3A_271 : memref<8x1024xf32, #tpu.memory_space<vmem>>)
    %add3A_277 = arith.constant 1016 : i32
    %add3A_278 = arith.addi %mul3A_2, %add3A_277 : i32
    %multiple_of3A_279 = tpu.assume_multiple %add3A_278, 8 : i32
    %dma_start3A_280 = arith.constant 7 : i32
    %dma_start3A_281 = arith.constant 0 : i32
    %dma_start3A_282 = arith.constant 0 : i32
    %dma_start3A_283 = tpu.memref_slice %arg6[%dma_start3A_280, %dma_start3A_281, %dma_start3A_282] : memref<8x8x1024xf32, #tpu.memory_space<vmem>> -> memref<1x8x1024xf32, #tpu.memory_space<vmem>>
    %dma_start3A_284 = tpu.memref_squeeze %dma_start3A_283 : memref<1x8x1024xf32, #tpu.memory_space<vmem>> -> memref<8x1024xf32, #tpu.memory_space<vmem>>
    %dma_start3A_285 = arith.constant 0 : i32
    %dma_start3A_286 = tpu.memref_slice %arg4[%multiple_of3A_279, %dma_start3A_285] : memref<32768x1024xf32, #tpu.memory_space<hbm>> -> memref<8x1024xf32, #tpu.memory_space<hbm>>
    %dma_start3A_287 = arith.constant 0 : i32
    %dma_start3A_288 = tpu.memref_slice %arg4[%multiple_of3A_279, %dma_start3A_287] : memref<32768x1024xf32, #tpu.memory_space<hbm>> -> memref<8x1024xf32, #tpu.memory_space<hbm>>
    %dma_start3A_289 = arith.constant 0 : i32
    %dma_start3A_290 = arith.constant 0 : i32
    %dma_start3A_291 = tpu.memref_slice %arg6[%dma_start3A_280, %dma_start3A_289, %dma_start3A_290] : memref<8x8x1024xf32, #tpu.memory_space<vmem>> -> memref<1x8x1024xf32, #tpu.memory_space<vmem>>
    %dma_start3A_292 = tpu.memref_squeeze %dma_start3A_291 : memref<1x8x1024xf32, #tpu.memory_space<vmem>> -> memref<8x1024xf32, #tpu.memory_space<vmem>>
    tpu.enqueue_dma source(%dma_start3A_292 : memref<8x1024xf32, #tpu.memory_space<vmem>>) target(%dma_start3A_288 : memref<8x1024xf32, #tpu.memory_space<hbm>>) target_semaphore(%arg22 : memref<!tpu.dma_semaphore, #tpu.memory_space<semaphore_mem>>)
    %add3A_293 = arith.constant 960 : i32
    %add3A_294 = arith.addi %mul3A_2, %add3A_293 : i32
    %multiple_of3A_295 = tpu.assume_multiple %add3A_294, 8 : i32
    %dma_wait3A_296 = arith.constant 0 : i32
    %dma_wait3A_297 = arith.constant 0 : i32
    %dma_wait3A_298 = arith.constant 0 : i32
    %dma_wait3A_299 = tpu.memref_slice %arg6[%dma_wait3A_296, %dma_wait3A_297, %dma_wait3A_298] : memref<8x8x1024xf32, #tpu.memory_space<vmem>> -> memref<1x8x1024xf32, #tpu.memory_space<vmem>>
    %dma_wait3A_300 = tpu.memref_squeeze %dma_wait3A_299 : memref<1x8x1024xf32, #tpu.memory_space<vmem>> -> memref<8x1024xf32, #tpu.memory_space<vmem>>
    %dma_wait3A_301 = arith.constant 0 : i32
    %dma_wait3A_302 = tpu.memref_slice %arg4[%multiple_of3A_295, %dma_wait3A_301] : memref<32768x1024xf32, #tpu.memory_space<hbm>> -> memref<8x1024xf32, #tpu.memory_space<hbm>>
    %dma_wait3A_303 = arith.constant 0 : i32
    %dma_wait3A_304 = tpu.memref_slice %arg4[%multiple_of3A_295, %dma_wait3A_303] : memref<32768x1024xf32, #tpu.memory_space<hbm>> -> memref<8x1024xf32, #tpu.memory_space<hbm>>
    %dma_wait3A_305 = arith.constant 0 : i32
    %dma_wait3A_306 = arith.constant 0 : i32
    %dma_wait3A_307 = tpu.memref_slice %arg6[%dma_wait3A_296, %dma_wait3A_305, %dma_wait3A_306] : memref<8x8x1024xf32, #tpu.memory_space<vmem>> -> memref<1x8x1024xf32, #tpu.memory_space<vmem>>
    %dma_wait3A_308 = tpu.memref_squeeze %dma_wait3A_307 : memref<1x8x1024xf32, #tpu.memory_space<vmem>> -> memref<8x1024xf32, #tpu.memory_space<vmem>>
    tpu.wait_dma2 semaphore(%arg15 : memref<!tpu.dma_semaphore, #tpu.memory_space<semaphore_mem>>) src(%dma_wait3A_308 : memref<8x1024xf32, #tpu.memory_space<vmem>>) dst(%dma_wait3A_304 : memref<8x1024xf32, #tpu.memory_space<hbm>>)
    %add3A_309 = arith.constant 968 : i32
    %add3A_310 = arith.addi %mul3A_2, %add3A_309 : i32
    %multiple_of3A_311 = tpu.assume_multiple %add3A_310, 8 : i32
    %dma_wait3A_312 = arith.constant 1 : i32
    %dma_wait3A_313 = arith.constant 0 : i32
    %dma_wait3A_314 = arith.constant 0 : i32
    %dma_wait3A_315 = tpu.memref_slice %arg6[%dma_wait3A_312, %dma_wait3A_313, %dma_wait3A_314] : memref<8x8x1024xf32, #tpu.memory_space<vmem>> -> memref<1x8x1024xf32, #tpu.memory_space<vmem>>
    %dma_wait3A_316 = tpu.memref_squeeze %dma_wait3A_315 : memref<1x8x1024xf32, #tpu.memory_space<vmem>> -> memref<8x1024xf32, #tpu.memory_space<vmem>>
    %dma_wait3A_317 = arith.constant 0 : i32
    %dma_wait3A_318 = tpu.memref_slice %arg4[%multiple_of3A_311, %dma_wait3A_317] : memref<32768x1024xf32, #tpu.memory_space<hbm>> -> memref<8x1024xf32, #tpu.memory_space<hbm>>
    %dma_wait3A_319 = arith.constant 0 : i32
    %dma_wait3A_320 = tpu.memref_slice %arg4[%multiple_of3A_311, %dma_wait3A_319] : memref<32768x1024xf32, #tpu.memory_space<hbm>> -> memref<8x1024xf32, #tpu.memory_space<hbm>>
    %dma_wait3A_321 = arith.constant 0 : i32
    %dma_wait3A_322 = arith.constant 0 : i32
    %dma_wait3A_323 = tpu.memref_slice %arg6[%dma_wait3A_312, %dma_wait3A_321, %dma_wait3A_322] : memref<8x8x1024xf32, #tpu.memory_space<vmem>> -> memref<1x8x1024xf32, #tpu.memory_space<vmem>>
    %dma_wait3A_324 = tpu.memref_squeeze %dma_wait3A_323 : memref<1x8x1024xf32, #tpu.memory_space<vmem>> -> memref<8x1024xf32, #tpu.memory_space<vmem>>
    tpu.wait_dma2 semaphore(%arg16 : memref<!tpu.dma_semaphore, #tpu.memory_space<semaphore_mem>>) src(%dma_wait3A_324 : memref<8x1024xf32, #tpu.memory_space<vmem>>) dst(%dma_wait3A_320 : memref<8x1024xf32, #tpu.memory_space<hbm>>)
    %add3A_325 = arith.constant 976 : i32
    %add3A_326 = arith.addi %mul3A_2, %add3A_325 : i32
    %multiple_of3A_327 = tpu.assume_multiple %add3A_326, 8 : i32
    %dma_wait3A_328 = arith.constant 2 : i32
    %dma_wait3A_329 = arith.constant 0 : i32
    %dma_wait3A_330 = arith.constant 0 : i32
    %dma_wait3A_331 = tpu.memref_slice %arg6[%dma_wait3A_328, %dma_wait3A_329, %dma_wait3A_330] : memref<8x8x1024xf32, #tpu.memory_space<vmem>> -> memref<1x8x1024xf32, #tpu.memory_space<vmem>>
    %dma_wait3A_332 = tpu.memref_squeeze %dma_wait3A_331 : memref<1x8x1024xf32, #tpu.memory_space<vmem>> -> memref<8x1024xf32, #tpu.memory_space<vmem>>
    %dma_wait3A_333 = arith.constant 0 : i32
    %dma_wait3A_334 = tpu.memref_slice %arg4[%multiple_of3A_327, %dma_wait3A_333] : memref<32768x1024xf32, #tpu.memory_space<hbm>> -> memref<8x1024xf32, #tpu.memory_space<hbm>>
    %dma_wait3A_335 = arith.constant 0 : i32
    %dma_wait3A_336 = tpu.memref_slice %arg4[%multiple_of3A_327, %dma_wait3A_335] : memref<32768x1024xf32, #tpu.memory_space<hbm>> -> memref<8x1024xf32, #tpu.memory_space<hbm>>
    %dma_wait3A_337 = arith.constant 0 : i32
    %dma_wait3A_338 = arith.constant 0 : i32
    %dma_wait3A_339 = tpu.memref_slice %arg6[%dma_wait3A_328, %dma_wait3A_337, %dma_wait3A_338] : memref<8x8x1024xf32, #tpu.memory_space<vmem>> -> memref<1x8x1024xf32, #tpu.memory_space<vmem>>
    %dma_wait3A_340 = tpu.memref_squeeze %dma_wait3A_339 : memref<1x8x1024xf32, #tpu.memory_space<vmem>> -> memref<8x1024xf32, #tpu.memory_space<vmem>>
    tpu.wait_dma2 semaphore(%arg17 : memref<!tpu.dma_semaphore, #tpu.memory_space<semaphore_mem>>) src(%dma_wait3A_340 : memref<8x1024xf32, #tpu.memory_space<vmem>>) dst(%dma_wait3A_336 : memref<8x1024xf32, #tpu.memory_space<hbm>>)
    %add3A_341 = arith.constant 984 : i32
    %add3A_342 = arith.addi %mul3A_2, %add3A_341 : i32
    %multiple_of3A_343 = tpu.assume_multiple %add3A_342, 8 : i32
    %dma_wait3A_344 = arith.constant 3 : i32
    %dma_wait3A_345 = arith.constant 0 : i32
    %dma_wait3A_346 = arith.constant 0 : i32
    %dma_wait3A_347 = tpu.memref_slice %arg6[%dma_wait3A_344, %dma_wait3A_345, %dma_wait3A_346] : memref<8x8x1024xf32, #tpu.memory_space<vmem>> -> memref<1x8x1024xf32, #tpu.memory_space<vmem>>
    %dma_wait3A_348 = tpu.memref_squeeze %dma_wait3A_347 : memref<1x8x1024xf32, #tpu.memory_space<vmem>> -> memref<8x1024xf32, #tpu.memory_space<vmem>>
    %dma_wait3A_349 = arith.constant 0 : i32
    %dma_wait3A_350 = tpu.memref_slice %arg4[%multiple_of3A_343, %dma_wait3A_349] : memref<32768x1024xf32, #tpu.memory_space<hbm>> -> memref<8x1024xf32, #tpu.memory_space<hbm>>
    %dma_wait3A_351 = arith.constant 0 : i32
    %dma_wait3A_352 = tpu.memref_slice %arg4[%multiple_of3A_343, %dma_wait3A_351] : memref<32768x1024xf32, #tpu.memory_space<hbm>> -> memref<8x1024xf32, #tpu.memory_space<hbm>>
    %dma_wait3A_353 = arith.constant 0 : i32
    %dma_wait3A_354 = arith.constant 0 : i32
    %dma_wait3A_355 = tpu.memref_slice %arg6[%dma_wait3A_344, %dma_wait3A_353, %dma_wait3A_354] : memref<8x8x1024xf32, #tpu.memory_space<vmem>> -> memref<1x8x1024xf32, #tpu.memory_space<vmem>>
    %dma_wait3A_356 = tpu.memref_squeeze %dma_wait3A_355 : memref<1x8x1024xf32, #tpu.memory_space<vmem>> -> memref<8x1024xf32, #tpu.memory_space<vmem>>
    tpu.wait_dma2 semaphore(%arg18 : memref<!tpu.dma_semaphore, #tpu.memory_space<semaphore_mem>>) src(%dma_wait3A_356 : memref<8x1024xf32, #tpu.memory_space<vmem>>) dst(%dma_wait3A_352 : memref<8x1024xf32, #tpu.memory_space<hbm>>)
    %add3A_357 = arith.constant 992 : i32
    %add3A_358 = arith.addi %mul3A_2, %add3A_357 : i32
    %multiple_of3A_359 = tpu.assume_multiple %add3A_358, 8 : i32
    %dma_wait3A_360 = arith.constant 4 : i32
    %dma_wait3A_361 = arith.constant 0 : i32
    %dma_wait3A_362 = arith.constant 0 : i32
    %dma_wait3A_363 = tpu.memref_slice %arg6[%dma_wait3A_360, %dma_wait3A_361, %dma_wait3A_362] : memref<8x8x1024xf32, #tpu.memory_space<vmem>> -> memref<1x8x1024xf32, #tpu.memory_space<vmem>>
    %dma_wait3A_364 = tpu.memref_squeeze %dma_wait3A_363 : memref<1x8x1024xf32, #tpu.memory_space<vmem>> -> memref<8x1024xf32, #tpu.memory_space<vmem>>
    %dma_wait3A_365 = arith.constant 0 : i32
    %dma_wait3A_366 = tpu.memref_slice %arg4[%multiple_of3A_359, %dma_wait3A_365] : memref<32768x1024xf32, #tpu.memory_space<hbm>> -> memref<8x1024xf32, #tpu.memory_space<hbm>>
    %dma_wait3A_367 = arith.constant 0 : i32
    %dma_wait3A_368 = tpu.memref_slice %arg4[%multiple_of3A_359, %dma_wait3A_367] : memref<32768x1024xf32, #tpu.memory_space<hbm>> -> memref<8x1024xf32, #tpu.memory_space<hbm>>
    %dma_wait3A_369 = arith.constant 0 : i32
    %dma_wait3A_370 = arith.constant 0 : i32
    %dma_wait3A_371 = tpu.memref_slice %arg6[%dma_wait3A_360, %dma_wait3A_369, %dma_wait3A_370] : memref<8x8x1024xf32, #tpu.memory_space<vmem>> -> memref<1x8x1024xf32, #tpu.memory_space<vmem>>
    %dma_wait3A_372 = tpu.memref_squeeze %dma_wait3A_371 : memref<1x8x1024xf32, #tpu.memory_space<vmem>> -> memref<8x1024xf32, #tpu.memory_space<vmem>>
    tpu.wait_dma2 semaphore(%arg19 : memref<!tpu.dma_semaphore, #tpu.memory_space<semaphore_mem>>) src(%dma_wait3A_372 : memref<8x1024xf32, #tpu.memory_space<vmem>>) dst(%dma_wait3A_368 : memref<8x1024xf32, #tpu.memory_space<hbm>>)
    %add3A_373 = arith.constant 1000 : i32
    %add3A_374 = arith.addi %mul3A_2, %add3A_373 : i32
    %multiple_of3A_375 = tpu.assume_multiple %add3A_374, 8 : i32
    %dma_wait3A_376 = arith.constant 5 : i32
    %dma_wait3A_377 = arith.constant 0 : i32
    %dma_wait3A_378 = arith.constant 0 : i32
    %dma_wait3A_379 = tpu.memref_slice %arg6[%dma_wait3A_376, %dma_wait3A_377, %dma_wait3A_378] : memref<8x8x1024xf32, #tpu.memory_space<vmem>> -> memref<1x8x1024xf32, #tpu.memory_space<vmem>>
    %dma_wait3A_380 = tpu.memref_squeeze %dma_wait3A_379 : memref<1x8x1024xf32, #tpu.memory_space<vmem>> -> memref<8x1024xf32, #tpu.memory_space<vmem>>
    %dma_wait3A_381 = arith.constant 0 : i32
    %dma_wait3A_382 = tpu.memref_slice %arg4[%multiple_of3A_375, %dma_wait3A_381] : memref<32768x1024xf32, #tpu.memory_space<hbm>> -> memref<8x1024xf32, #tpu.memory_space<hbm>>
    %dma_wait3A_383 = arith.constant 0 : i32
    %dma_wait3A_384 = tpu.memref_slice %arg4[%multiple_of3A_375, %dma_wait3A_383] : memref<32768x1024xf32, #tpu.memory_space<hbm>> -> memref<8x1024xf32, #tpu.memory_space<hbm>>
    %dma_wait3A_385 = arith.constant 0 : i32
    %dma_wait3A_386 = arith.constant 0 : i32
    %dma_wait3A_387 = tpu.memref_slice %arg6[%dma_wait3A_376, %dma_wait3A_385, %dma_wait3A_386] : memref<8x8x1024xf32, #tpu.memory_space<vmem>> -> memref<1x8x1024xf32, #tpu.memory_space<vmem>>
    %dma_wait3A_388 = tpu.memref_squeeze %dma_wait3A_387 : memref<1x8x1024xf32, #tpu.memory_space<vmem>> -> memref<8x1024xf32, #tpu.memory_space<vmem>>
    tpu.wait_dma2 semaphore(%arg20 : memref<!tpu.dma_semaphore, #tpu.memory_space<semaphore_mem>>) src(%dma_wait3A_388 : memref<8x1024xf32, #tpu.memory_space<vmem>>) dst(%dma_wait3A_384 : memref<8x1024xf32, #tpu.memory_space<hbm>>)
    %add3A_389 = arith.constant 1008 : i32
    %add3A_390 = arith.addi %mul3A_2, %add3A_389 : i32
    %multiple_of3A_391 = tpu.assume_multiple %add3A_390, 8 : i32
    %dma_wait3A_392 = arith.constant 6 : i32
    %dma_wait3A_393 = arith.constant 0 : i32
    %dma_wait3A_394 = arith.constant 0 : i32
    %dma_wait3A_395 = tpu.memref_slice %arg6[%dma_wait3A_392, %dma_wait3A_393, %dma_wait3A_394] : memref<8x8x1024xf32, #tpu.memory_space<vmem>> -> memref<1x8x1024xf32, #tpu.memory_space<vmem>>
    %dma_wait3A_396 = tpu.memref_squeeze %dma_wait3A_395 : memref<1x8x1024xf32, #tpu.memory_space<vmem>> -> memref<8x1024xf32, #tpu.memory_space<vmem>>
    %dma_wait3A_397 = arith.constant 0 : i32
    %dma_wait3A_398 = tpu.memref_slice %arg4[%multiple_of3A_391, %dma_wait3A_397] : memref<32768x1024xf32, #tpu.memory_space<hbm>> -> memref<8x1024xf32, #tpu.memory_space<hbm>>
    %dma_wait3A_399 = arith.constant 0 : i32
    %dma_wait3A_400 = tpu.memref_slice %arg4[%multiple_of3A_391, %dma_wait3A_399] : memref<32768x1024xf32, #tpu.memory_space<hbm>> -> memref<8x1024xf32, #tpu.memory_space<hbm>>
    %dma_wait3A_401 = arith.constant 0 : i32
    %dma_wait3A_402 = arith.constant 0 : i32
    %dma_wait3A_403 = tpu.memref_slice %arg6[%dma_wait3A_392, %dma_wait3A_401, %dma_wait3A_402] : memref<8x8x1024xf32, #tpu.memory_space<vmem>> -> memref<1x8x1024xf32, #tpu.memory_space<vmem>>
    %dma_wait3A_404 = tpu.memref_squeeze %dma_wait3A_403 : memref<1x8x1024xf32, #tpu.memory_space<vmem>> -> memref<8x1024xf32, #tpu.memory_space<vmem>>
    tpu.wait_dma2 semaphore(%arg21 : memref<!tpu.dma_semaphore, #tpu.memory_space<semaphore_mem>>) src(%dma_wait3A_404 : memref<8x1024xf32, #tpu.memory_space<vmem>>) dst(%dma_wait3A_400 : memref<8x1024xf32, #tpu.memory_space<hbm>>)
    %add3A_405 = arith.constant 1016 : i32
    %add3A_406 = arith.addi %mul3A_2, %add3A_405 : i32
    %multiple_of3A_407 = tpu.assume_multiple %add3A_406, 8 : i32
    %dma_wait3A_408 = arith.constant 7 : i32
    %dma_wait3A_409 = arith.constant 0 : i32
    %dma_wait3A_410 = arith.constant 0 : i32
    %dma_wait3A_411 = tpu.memref_slice %arg6[%dma_wait3A_408, %dma_wait3A_409, %dma_wait3A_410] : memref<8x8x1024xf32, #tpu.memory_space<vmem>> -> memref<1x8x1024xf32, #tpu.memory_space<vmem>>
    %dma_wait3A_412 = tpu.memref_squeeze %dma_wait3A_411 : memref<1x8x1024xf32, #tpu.memory_space<vmem>> -> memref<8x1024xf32, #tpu.memory_space<vmem>>
    %dma_wait3A_413 = arith.constant 0 : i32
    %dma_wait3A_414 = tpu.memref_slice %arg4[%multiple_of3A_407, %dma_wait3A_413] : memref<32768x1024xf32, #tpu.memory_space<hbm>> -> memref<8x1024xf32, #tpu.memory_space<hbm>>
    %dma_wait3A_415 = arith.constant 0 : i32
    %dma_wait3A_416 = tpu.memref_slice %arg4[%multiple_of3A_407, %dma_wait3A_415] : memref<32768x1024xf32, #tpu.memory_space<hbm>> -> memref<8x1024xf32, #tpu.memory_space<hbm>>
    %dma_wait3A_417 = arith.constant 0 : i32
    %dma_wait3A_418 = arith.constant 0 : i32
    %dma_wait3A_419 = tpu.memref_slice %arg6[%dma_wait3A_408, %dma_wait3A_417, %dma_wait3A_418] : memref<8x8x1024xf32, #tpu.memory_space<vmem>> -> memref<1x8x1024xf32, #tpu.memory_space<vmem>>
    %dma_wait3A_420 = tpu.memref_squeeze %dma_wait3A_419 : memref<1x8x1024xf32, #tpu.memory_space<vmem>> -> memref<8x1024xf32, #tpu.memory_space<vmem>>
    tpu.wait_dma2 semaphore(%arg22 : memref<!tpu.dma_semaphore, #tpu.memory_space<semaphore_mem>>) src(%dma_wait3A_420 : memref<8x1024xf32, #tpu.memory_space<vmem>>) dst(%dma_wait3A_416 : memref<8x1024xf32, #tpu.memory_space<hbm>>)
    return
  }
}

</mosaic_0001>

<sc_bundles>
// kernel: kernel.3.cloned.1.call-start
scs
__scs_entry_jumppad:
0x0: {  	(pc) =	sbr.rel $0x88, $3  }
0x1: {  	(tag) =	ssettag $0x0;
	lr =	simm.s32 $0x1  }
0x2: {  	[smem:$0x3F9F] =	sst lr;
	_ =	strace $0xD0000000  }
0x3: {  	_ = 	snop  }
0x4: {  	_ = 	snop  }
0x5: {  	_ = 	snop  }
0x6: {  	_ = 	snop  }
0x7: {  	_ = 	snop  }
__scs_overlays_trampoline_lowered:
0x8: {  	[smem:$0x3FAE] =	sst s0  }
0x9: {  	[smem:$0x3FAF] =	sst s1  }
0xa: {  	[smem:$0x3FB0] =	sst s2  }
0xb: {  	[smem:$0x3FB1] =	sst s3  }
0xc: {  	[smem:$0x3FB2] =	sst s4  }
0xd: {  	[smem:$0x3FB3] =	sst s5  }
0xe: {  	[smem:$0x3FB4] =	sst s6  }
0xf: {  	[smem:$0x3FB5] =	sst s7  }
0x10: {  	[smem:$0x3FB6] =	sst s8  }
0x11: {  	[smem:$0x3FB7] =	sst s9;
	s0 =	simm.s32 @!p0 $0x0  }
0x12: {  	s1 =	sld [smem:$0x3F9D];
	s0 =	simm.s32 @p0 $0x1  }
0x13: {  	[smem:$0x3FB8] =	sst s0;
	s0 =	simm.s32 @!p1 $0x0  }
0x14: {  	s2 =	sld [smem:$0x3F9C];
	s0 =	simm.s32 @p1 $0x1  }
0x15: {  	[smem:$0x3FB9] =	sst s0;
	s0 =	simm.s32 @!p2 $0x0  }
0x16: {  	s3 =	sld [smem:$0x3FDB];
	s0 =	simm.s32 @p2 $0x1  }
0x17: {  	s4 =	simm.s32 $0x1BF5;
	[smem:$0x3FBB] =	sst s0  }
0x18: {  	s0 =	sld [smem:$0x3F9E];
	_ =	swait.ge [sflag:s4], $0x0  }
0x19: {  	s7 =	sld [smem:$0x3F9F]  }
0x1a: {  	s8 =	sadd.s32 $0xFFFFE003, lr  }
0x1b: {  	s9 =	sadd.s32 $0xFFFFFEF7, lr;
	s5 =	simm.s32 $0xFFFFFFFF;
	p2 =	slt.u32 s8, $0xFFFFF086  }
0x1c: {  	p1 =	slt.u32 s9, $0xF7A;
	s5 =	simm.s32 @!p2 $0x0  }
0x1d: {  	s5 =	simm.s32 @p1 $0x1;
	p0 =	seq.s32 s7, s2  }
0x1e: {  	s7 =	smul.u32 @!p0 $0xF7A, s2;
	p2 =	seq.s32 @!p0 s5, $0x0  }
0x1f: {  	s9 =	smul.u32 $0xF7A, s1;
	s8 =	simm.s32 @!p0 $0x1BF5;
	p2 =	por !p2, p0  }
0x20: {  	[sflag:s8] =	ssyncset.s32 @!p0 $0xFFFFF086;
	s6 =	sadd.s32 @!p0 s3, s7;
	s7 =	simm.s32 @!p0 $0x108  }
0x21: {  	s3 =	sadd.s32 s3, s9;
	s6 =	sadd.s32 @!p0 $0x88, s6;
	s7 =	simm.s32 @p2 $0x1082  }
0x22: {  	[simem:s7], [sflag:s8] =	dma.local @!p0 [hbm:s6], $0xF7A  }
0x23: {  	s9 =	sor.u32 $0xD0000000, s2;
	s6 =	simm.s32 $0x108;
	_ =	swait.ge @!p0 [sflag:s8], $0x0  }
0x24: {  	s3 =	sadd.s32 $0x88, s3;
	s6 =	simm.s32 @!p1 $0x1082;
	[sflag:s4] =	ssyncset.s32 $0xFFFFF086  }
0x25: {  	[simem:s6], [sflag:s4] =	dma.local [hbm:s3], $0xF7A  }
0x26: {  	[smem:$0x3F9F] =	sst s1;
	(tag) =	ssettag s2;
	_ =	strace s9  }
0x27: {  	s1 =	sld [smem:$0x3FAF]  }
0x28: {  	s2 =	sld [smem:$0x3FB0]  }
0x29: {  	s4 =	sld [smem:$0x3FB2]  }
0x2a: {  	p0 =	seq.s32 s5, $0x0;
	s5 =	sld [smem:$0x3FB3]  }
0x2b: {  	s6 =	sld [smem:$0x3FB4]  }
0x2c: {  	s7 =	sld [smem:$0x3FB5]  }
0x2d: {  	s3 =	simm.s32 $0x108;
	s8 =	sld [smem:$0x3FB6]  }
0x2e: {  	s3 =	simm.s32 @!p0 $0x1082;
	s9 =	sld [smem:$0x3FB7]  }
0x2f: {  	lr =	sadd.s32 s0, s3;
	s0 =	sld [smem:$0x3FAE]  }
0x30: {  	s3 =	sld [smem:$0x3FB1]  }
0x31: {  	[smem:$0x3FBA] =	sst s10  }
0x32: {  	s10 =	sld [smem:$0x3FB8];
	_ =	sdelay $0x3  }
0x33: {  	p0 =	seq.s32 s10, $0x1;
	s10 =	sld [smem:$0x3FBA];
	_ =	sdelay $0x3  }
0x34: {  	[smem:$0x3FBA] =	sst s10  }
0x35: {  	s10 =	sld [smem:$0x3FB9];
	_ =	sdelay $0x3  }
0x36: {  	p1 =	seq.s32 s10, $0x1;
	s10 =	sld [smem:$0x3FBA];
	_ =	sdelay $0x3  }
0x37: {  	[smem:$0x3FBA] =	sst s10  }
0x38: {  	s10 =	sld [smem:$0x3FBB]  }
0x39: {  	_ = 	snop;
	(pc) =	sbr.ind lr, $3  }
0x3a: {  	_ = 	snop  }
0x3b: {  	_ = 	snop  }
0x3c: {  	p2 =	seq.s32 s10, $0x1;
	s10 =	sld [smem:$0x3FBA]  }
0x3d: {  	_ =	shalt  }
0x3e: {  	_ =	shalt  }
0x3f: {  	_ =	shalt  }
0x40: {  	_ =	shalt  }
0x41: {  	_ =	shalt  }
0x42: {  	_ =	shalt  }
0x43: {  	_ =	shalt  }
0x44: {  	_ =	shalt  }
0x45: {  	_ =	shalt  }
0x46: {  	_ =	shalt  }
0x47: {  	_ =	shalt  }
0x48: {  	_ =	shalt  }
0x49: {  	_ =	shalt  }
0x4a: {  	_ =	shalt  }
0x4b: {  	_ =	shalt  }
0x4c: {  	_ =	shalt  }
0x4d: {  	_ =	shalt  }
0x4e: {  	_ =	shalt  }
0x4f: {  	_ =	shalt  }
0x50: {  	_ =	shalt  }
0x51: {  	_ =	shalt  }
0x52: {  	_ =	shalt  }
0x53: {  	_ =	shalt  }
0x54: {  	_ =	shalt  }
0x55: {  	_ =	shalt  }
0x56: {  	_ =	shalt  }
0x57: {  	_ =	shalt  }
0x58: {  	_ =	shalt  }
0x59: {  	_ =	shalt  }
0x5a: {  	_ =	shalt  }
0x5b: {  	_ =	shalt  }
0x5c: {  	_ =	shalt  }
0x5d: {  	_ =	shalt  }
0x5e: {  	_ =	shalt  }
0x5f: {  	_ =	shalt  }
0x60: {  	_ =	shalt  }
0x61: {  	_ =	shalt  }
0x62: {  	_ =	shalt  }
0x63: {  	_ =	shalt  }
0x64: {  	_ =	shalt  }
0x65: {  	_ =	shalt  }
0x66: {  	_ =	shalt  }
0x67: {  	_ =	shalt  }
0x68: {  	_ =	shalt  }
0x69: {  	_ =	shalt  }
0x6a: {  	_ =	shalt  }
0x6b: {  	_ =	shalt  }
0x6c: {  	_ =	shalt  }
0x6d: {  	_ =	shalt  }
0x6e: {  	_ =	shalt  }
0x6f: {  	_ =	shalt  }
0x70: {  	_ =	shalt  }
0x71: {  	_ =	shalt  }
0x72: {  	_ =	shalt  }
0x73: {  	_ =	shalt  }
0x74: {  	_ =	shalt  }
0x75: {  	_ =	shalt  }
0x76: {  	_ =	shalt  }
0x77: {  	_ =	shalt  }
0x78: {  	_ =	shalt  }
0x79: {  	_ =	shalt  }
0x7a: {  	_ =	shalt  }
0x7b: {  	_ =	shalt  }
0x7c: {  	_ =	shalt  }
0x7d: {  	_ =	shalt  }
0x7e: {  	_ =	shalt  }
0x7f: {  	_ =	shalt  }
0x80: {  	_ =	shalt  }
0x81: {  	_ =	shalt  }
0x82: {  	_ =	shalt  }
0x83: {  	_ =	shalt  }
0x84: {  	_ =	shalt  }
0x85: {  	_ =	shalt  }
0x86: {  	_ =	shalt  }
0x87: {  	_ =	shalt  }
.Lfunc_end0:
.L_simem_size_0:
called_computation_lowered:
.L_overlay_start_0:
0x88: {  	s2 =	sld [smem:$0x3FD9]  }
0x89: {  	s3 =	sld [smem:$0x3FFE];
	_ =	sdelay $0x1  }
0x8a: {  	s1 =	srdreg.scid  }
0x8b: {  	s0 =	sand.u32 $0x1, s1  }
0x8c: {  	s17 =	sshll.u32 s0, $0xA;
	s2 =	sadd.s32 s3, s2  }
0x8d: {  	s2 =	sadd.s32 s2, s17  }
0x8e: {  	[smem:$0x3FC6] =	sst s2  }
0x8f: {  	_ = 	snop  }
0x90: {  	s2 =	sld [smem:$0x3FC8]  }
0x91: {  	s18 =	sld [smem:$0x3FD0];
	(tm) =	ssettm $0x1  }
0x92: {  	s4 =	sld [smem:$0x3FFB];
	_ =	sdelay $0x3  }
0x93: {  	_ =	strace s4  }
0x94: {  	s4 =	sld [smem:$0x3FFC];
	_ =	sdelay $0x3  }
0x95: {  	_ =	strace s4  }
0x96: {  	s4 =	sld [smem:$0x3FFD];
	_ =	sdelay $0x3  }
0x97: {  	_ =	strace s4  }
0x98: {  	_ =	strace $0x8FFFFFFF  }
0x99: {  	s19 =	sld [smem:$0x3FDB];
	_ =	sdelay $0x1  }
0x9a: {  	s5 =	simm.s32 $_scs_section_size  }
0x9b: {  	s6 =	simm.s32 $_size__tile_overlayer_lowered;
	s7 =	simm.s32 $_tile_overlayer_lowered  }
0x9c: {  	s22 =	simm.s32 $0x1BFF;
	s21 =	sshll.u32 s7, $0x1;
	s4 =	sadd.s32 s5, s19  }
0x9d: {  	s8 =	simm.s32 $0x0;
	s20 =	sshll.u32 s6, $0x1;
	s6 =	sadd.s32 s21, s4  }
0x9e: {  	[timem:s8], [sflag:s22] =	dma.local [hbm:s6], s20  }
0x9f: {  	_ =	swait.ge [sflag:s22], s20  }
0xa0: {  	s5 =	ssub.s32 $0x0, s20;
	[sflag:s22] =	ssyncset.done $0x0  }
0xa1: {  	[sflag:s22] =	ssyncadd.s32 s5;
	_ =	sdelay $0x1  }
0xa2: {  	s23 =	simm.s32 $0x1B8B  }
0xa3: {  	_ =	swait.ge [sflag:s23], $0x1  }
0xa4: {  	[sflag:s23] =	ssyncset.done $0x0  }
0xa5: {  	s25 =	simm.s32 $0x1B8E;
	s24 =	sld [smem:$0x3FFE];
	[sflag:s23] =	ssyncadd.s32 $0xFFFFFFFF  }
0xa6: {  	s26 =	simm.s32 $execute0_lowered;
	[smem:$0x3FD2] =	sst s25  }
0xa7: {  	s6 =	sshll.u32 s26, $0x1;
	_ =	strace $0x80000046;
	[dreg:$0x1] =	wrdreg $0xFFFFFFFF  }
0xa8: {  	s28 =	simm.s32 $_size_execute0_lowered;
	s4 =	sadd.s32 s4, s6;
	[dreg:$0x0] =	wrdreg $0x0  }
0xa9: {  	s6 =	sshll.u32 s28, $0x1;
	[dreg:$0x2] =	wrdreg s4  }
0xaa: {  	[dreg:$0x3] =	wrdreg s6  }
0xab: {  	[dreg:$0x4] =	wrdreg $0xC0  }
0xac: {  	_ =	task [dreg:s8], $0x5FFFF  }
0xad: {  	[dreg:$0x1] =	wrdreg $0xFFFFFFFF  }
0xae: {  	[dreg:$0x0] =	wrdreg $0x60  }
0xaf: {  	[dreg:$0x2] =	wrdreg s24  }
0xb0: {  	[dreg:$0x3] =	wrdreg s2  }
0xb1: {  	[dreg:$0x4] =	wrdreg s18  }
0xb2: {  	[dreg:$0x5] =	wrdreg $0x9  }
0xb3: {  	_ =	task.clear_ibuf [dreg:s8], $0x6FFFF;
	_ =	strace $0x90000046  }
0xb4: {  	s29 =	simm.s32 $0x9;
	_ =	strace $0x80000048  }
0xb5: {  	_ =	swait.ge [sflag:s29], $0x1  }
0xb6: {  	[sflag:s29] =	ssyncadd.s32 $0xFFFFFFFF  }
0xb7: {  	_ =	strace $0x90000048  }
0xb8: {  	_ =	sfence  }
0xb9: {  	s30 =	sld [smem:$0x0];
	_ =	sdelay $0x2  }
0xba: {  	s31 =	sshll.u32 s1, $0xD;
	s1 =	sshrl.u32 s1, $0x2  }
0xbb: {  	s3 =	sand.u32 $0x4000, s31;
	s1 =	sadd.s32 s1, s30  }
0xbc: {  	s0 =	sor.u32 s3, s0;
	s1 =	sshll.u32 s1, $0x11  }
0xbd: {  	s0 =	sor.u32 s1, s0  }
0xbe: {  	s0 =	sadd.s32 $0x8F2B, s0  }
0xbf: {  	[sflag:s0] =	ssyncadd.remote.s32 $0x1  }
0xc0: {  	_ =	sfence.sel $0xFFFF  }
0xc1: {  	[dreg:$0x0] =	wrdreg $0xFFFFFFFF;
	(pc) =	sbr.abs _section_cstart, $3  }
0xc2: {  	[dreg:$0x1] =	wrdreg $0xFFFFFFFF  }
0xc3: {  	_ =	task.clear_ibuf [dreg:s8], $0x2FFFF;
	_ =	strace $0x9FFFFFFF  }
0xc4: {  	(tm) =	ssettm $0x7FFFFFFF  }
0xc5: {  	_ =	shalt  }
tec
execute0_lowered:
.L_overlay_start_1:
0x0: {  	(tag) =	ssettag $0x1  }
0x1: {  	s0 =	rddreg [dreg:$0x0]  }
0x2: {  	s2 =	rddreg [dreg:$0x1]  }
0x3: {  	s1 =	rddreg [dreg:$0x2]  }
0x4: {  	s3 =	srdreg.scid;
	s9 =	stileid.u32;
	s12 =	simm.s32 $0x2400  }
0x5: {  	s31 =	simm.s32 $0x2C00;
	s14 =	simm.s32 $0x3400;
	s28 =	simm.s32 $0x6C00  }
0x6: {  	s29 =	simm.s32 $0x8400;
	s30 =	simm.s32 $0x8C00;
	s11 =	simm.s32 $0xEC00  }
0x7: {  	s13 =	simm.s32 $0x0;
	s15 =	simm.s32 $0x3;
	s4 =	sand.u32 $0x1, s3  }
0x8: {  	s3 =	simm.s32 $0x0;
	s5 =	sshll.u32 s9, $0xB;
	s9 =	sshll.u32 s9, $0x12  }
0x9: {  	s6 =	sshll.u32 s4, $0xA;
	[smem:$0x7FF] =	sst s3;
	s16 =	ssub.s32 $0x2, s4  }
0xa: {  	s4 =	sshll.u32 s4, $0x11;
	s5 =	sor.u32 s6, s5;
	_ =	strace $0x80000047  }
0xb: {  	s8 =	sshrl.u32 s16, $0x1;
	s6 =	sadd.s32 $0x200, s2;
	s7 =	sshrl.u32 s5, $0x3  }
0xc: {  	s8 =	ssub.s32 s16, s8;
	s17 =	sshll.u32 s5, $0x7;
	s5 =	sadd.s32 $0x100, s2  }
0xd: {  	s16 =	simm.s32 $0x4C00;
	s0 =	sadd.s32 s7, s0;
	s25 =	smax.u32 s8, $0x1  }
0xe: {  	s18 =	sadd.s32 s17, s1;
	s0 =	sadd.s32 $0x400, s0;
	[dreg:$0xe] =	wrdreg s25  }
0xf: {  	s7 =	sadd.s32 $0x300, s2;
	s10 =	sadd.s32 $0x1E000, s18;
	[dreg:$0x5] =	wrdreg s0  }
0x10: {  	s1 =	sadd.s32 s9, s1;
	s19 =	sadd.s32 $0x1E400, s18;
	[dreg:$0x6] =	wrdreg s10  }
0x11: {  	s8 =	simm.s32 $0x4400;
	s20 =	sadd.s32 $0x1E800, s18;
	[dreg:$0x7] =	wrdreg s19  }
0x12: {  	s9 =	simm.s32 $0xCC00;
	s21 =	sadd.s32 $0x1EC00, s18;
	[dreg:$0x8] =	wrdreg s20  }
0x13: {  	s17 =	simm.s32 $0x4;
	s22 =	sadd.s32 $0x1F000, s18;
	[dreg:$0x9] =	wrdreg s21  }
0x14: {  	s23 =	sadd.s32 $0x1F400, s18;
	s24 =	sadd.s32 $0x1F800, s18;
	[dreg:$0xa] =	wrdreg s22  }
0x15: {  	s26 =	sadd.s32 s4, s1;
	s25 =	simm.s32 $0x1C00;
	[dreg:$0xb] =	wrdreg s23  }
0x16: {  	s1 =	simm.s32 $0xAC00;
	s4 =	simm.s32 $0xC400;
	[dreg:$0xc] =	wrdreg s24  }
0x17: {  	s0 =	sadd.s32 $0x1FC00, s18;
	[dreg:$0x4] =	wrdreg s26;
	s22 =	simm.s32 $0x400  }
0x18: {  	v0 =	vlaneseq.u32;
	s26 =	simm.s32 $0xC00;
	s24 =	simm.s32 $0x1400;
	s21 =	simm.s32 $0x6400  }
0x19: {  	v1 =	vshrl.u32 v0, $0x3;
	s10 =	simm.s32 $0xE400;
	s19 =	simm.s32 $0x5;
	s20 =	simm.s32 $0x6  }
0x1a: {  	vm0 =	vmmov $0xffff;
	v0 =	vand.u32 $0x7, v0;
	v1 =	vmul.u32 $0x8, v1;
	s23 =	simm.s32 $0x7;
	[dreg:$0xd] =	wrdreg s0;
	s0 =	simm.s32 $0xA400  }
.LBB2_1:
0x1b: {  	[dreg:$0xf] =	wrdreg s13  }
0x1c: {  	s18 =	rddreg [dreg:$0x5];
	s13 =	simm.s32 $0x11  }
0x1d: {  	[tilespmem:s3], [sflag:$0x11] =	stream.linear.gather [hbm4b:s18+s3], $0x400, $0x38;
	[tilespmem:$0x10400] =	vst v63  }
0x1e: {  	_ =	swait.ge [sflag:s13], $0x400  }
0x1f: {  	[sflag:s13] =	ssyncset.done $0x0  }
0x20: {  	[sflag:s13] =	ssyncadd.s32 $0xFFFFFC00  }
0x21: {  	v2 =	vld.msk [tilespmem:$0x0], $0xff;
	_ =	sdelay $0x4  }
0x22: {  	v3 =	vshll.u32 v2, $0x3  }
0x23: {  	v2 =	vand.u32 $0x7, v2;
	v3 =	vand.u32 $0xFFFFFFC0, v3  }
0x24: {  	v2 =	vor.u32 v2, v3  }
0x25: {  	v2 =	vperm.xlane v2, v0;
	_ =	sdelay $0x1  }
0x26: {  	v2 =	vadd.s32 v1, v2;
	_ =	sdelay $0x4  }
0x27: {  	[tilespmem:s22], [sflag:$0x1] =	stream.indirect_vreg.gather [hbm4b:s2+s3], $0x80, v2, vm0, $0xb8;
	[tilespmem:$0x10400] =	vst v63  }
0x28: {  	_ = 	snop  }
0x29: {  	[tilespmem:s26], [sflag:$0x1] =	stream.indirect_vreg.gather [hbm4b:s5+s3], $0x80, v2, vm0, $0xb8;
	[tilespmem:$0x10400] =	vst v63  }
0x2a: {  	_ = 	snop  }
0x2b: {  	[tilespmem:s24], [sflag:$0x1] =	stream.indirect_vreg.gather [hbm4b:s6+s3], $0x80, v2, vm0, $0xb8;
	[tilespmem:$0x10400] =	vst v63  }
0x2c: {  	_ = 	snop  }
0x2d: {  	[tilespmem:s25], [sflag:$0x1] =	stream.indirect_vreg.gather [hbm4b:s7+s3], $0x80, v2, vm0, $0xb8;
	[tilespmem:$0x10400] =	vst v63  }
0x2e: {  	v2 =	vld.msk [tilespmem:$0x8], $0xff;
	_ =	sdelay $0x4  }
0x2f: {  	v3 =	vshll.u32 v2, $0x3  }
0x30: {  	v2 =	vand.u32 $0x7, v2;
	v3 =	vand.u32 $0xFFFFFFC0, v3  }
0x31: {  	v2 =	vor.u32 v2, v3  }
0x32: {  	v2 =	vperm.xlane v2, v0;
	_ =	sdelay $0x1  }
0x33: {  	v2 =	vadd.s32 v1, v2;
	_ =	sdelay $0x4  }
0x34: {  	[tilespmem:s12], [sflag:$0x2] =	stream.indirect_vreg.gather [hbm4b:s2+s3], $0x80, v2, vm0, $0xb8;
	[tilespmem:$0x10400] =	vst v63  }
0x35: {  	_ = 	snop  }
0x36: {  	[tilespmem:s31], [sflag:$0x2] =	stream.indirect_vreg.gather [hbm4b:s5+s3], $0x80, v2, vm0, $0xb8;
	[tilespmem:$0x10400] =	vst v63  }
0x37: {  	_ = 	snop  }
0x38: {  	[tilespmem:s14], [sflag:$0x2] =	stream.indirect_vreg.gather [hbm4b:s6+s3], $0x80, v2, vm0, $0xb8;
	[tilespmem:$0x10400] =	vst v63  }
0x39: {  	s13 =	simm.s32 $0x3C00  }
0x3a: {  	[tilespmem:s13], [sflag:$0x2] =	stream.indirect_vreg.gather [hbm4b:s7+s3], $0x80, v2, vm0, $0xb8;
	[tilespmem:$0x10400] =	vst v63  }
0x3b: {  	v2 =	vld.msk [tilespmem:$0x10], $0xff;
	_ =	sdelay $0x4  }
0x3c: {  	v3 =	vshll.u32 v2, $0x3  }
0x3d: {  	v2 =	vand.u32 $0x7, v2;
	v3 =	vand.u32 $0xFFFFFFC0, v3  }
0x3e: {  	v2 =	vor.u32 v2, v3  }
0x3f: {  	v2 =	vperm.xlane v2, v0;
	_ =	sdelay $0x1  }
0x40: {  	v2 =	vadd.s32 v1, v2;
	_ =	sdelay $0x4  }
0x41: {  	[tilespmem:s8], [sflag:$0x3] =	stream.indirect_vreg.gather [hbm4b:s2+s3], $0x80, v2, vm0, $0xb8;
	[tilespmem:$0x10400] =	vst v63  }
0x42: {  	_ = 	snop  }
0x43: {  	[tilespmem:s16], [sflag:$0x3] =	stream.indirect_vreg.gather [hbm4b:s5+s3], $0x80, v2, vm0, $0xb8;
	[tilespmem:$0x10400] =	vst v63  }
0x44: {  	s14 =	simm.s32 $0x5400  }
0x45: {  	[tilespmem:s14], [sflag:$0x3] =	stream.indirect_vreg.gather [hbm4b:s6+s3], $0x80, v2, vm0, $0xb8;
	[tilespmem:$0x10400] =	vst v63  }
0x46: {  	s16 =	simm.s32 $0x5C00  }
0x47: {  	[tilespmem:s16], [sflag:$0x3] =	stream.indirect_vreg.gather [hbm4b:s7+s3], $0x80, v2, vm0, $0xb8;
	[tilespmem:$0x10400] =	vst v63  }
0x48: {  	v2 =	vld.msk [tilespmem:$0x18], $0xff;
	_ =	sdelay $0x4  }
0x49: {  	v3 =	vshll.u32 v2, $0x3  }
0x4a: {  	v2 =	vand.u32 $0x7, v2;
	v3 =	vand.u32 $0xFFFFFFC0, v3  }
0x4b: {  	v2 =	vor.u32 v2, v3  }
0x4c: {  	v2 =	vperm.xlane v2, v0;
	_ =	sdelay $0x1  }
0x4d: {  	v2 =	vadd.s32 v1, v2;
	_ =	sdelay $0x4  }
0x4e: {  	[tilespmem:s21], [sflag:$0x4] =	stream.indirect_vreg.gather [hbm4b:s2+s3], $0x80, v2, vm0, $0xb8;
	[tilespmem:$0x10400] =	vst v63  }
0x4f: {  	_ = 	snop  }
0x50: {  	[tilespmem:s28], [sflag:$0x4] =	stream.indirect_vreg.gather [hbm4b:s5+s3], $0x80, v2, vm0, $0xb8;
	[tilespmem:$0x10400] =	vst v63  }
0x51: {  	s18 =	simm.s32 $0x7400  }
0x52: {  	[tilespmem:s18], [sflag:$0x4] =	stream.indirect_vreg.gather [hbm4b:s6+s3], $0x80, v2, vm0, $0xb8;
	[tilespmem:$0x10400] =	vst v63  }
0x53: {  	s21 =	simm.s32 $0x7C00  }
0x54: {  	[tilespmem:s21], [sflag:$0x4] =	stream.indirect_vreg.gather [hbm4b:s7+s3], $0x80, v2, vm0, $0xb8;
	[tilespmem:$0x10400] =	vst v63  }
0x55: {  	v2 =	vld.msk [tilespmem:$0x20], $0xff;
	_ =	sdelay $0x4  }
0x56: {  	v3 =	vshll.u32 v2, $0x3  }
0x57: {  	v2 =	vand.u32 $0x7, v2;
	v3 =	vand.u32 $0xFFFFFFC0, v3  }
0x58: {  	v2 =	vor.u32 v2, v3  }
0x59: {  	v2 =	vperm.xlane v2, v0;
	_ =	sdelay $0x1  }
0x5a: {  	v2 =	vadd.s32 v1, v2;
	_ =	sdelay $0x4  }
0x5b: {  	[tilespmem:s29], [sflag:$0x5] =	stream.indirect_vreg.gather [hbm4b:s2+s3], $0x80, v2, vm0, $0xb8;
	[tilespmem:$0x10400] =	vst v63  }
0x5c: {  	_ = 	snop  }
0x5d: {  	[tilespmem:s30], [sflag:$0x5] =	stream.indirect_vreg.gather [hbm4b:s5+s3], $0x80, v2, vm0, $0xb8;
	[tilespmem:$0x10400] =	vst v63  }
0x5e: {  	s22 =	simm.s32 $0x9400  }
0x5f: {  	[tilespmem:s22], [sflag:$0x5] =	stream.indirect_vreg.gather [hbm4b:s6+s3], $0x80, v2, vm0, $0xb8;
	[tilespmem:$0x10400] =	vst v63  }
0x60: {  	s24 =	simm.s32 $0x9C00  }
0x61: {  	[tilespmem:s24], [sflag:$0x5] =	stream.indirect_vreg.gather [hbm4b:s7+s3], $0x80, v2, vm0, $0xb8;
	[tilespmem:$0x10400] =	vst v63  }
0x62: {  	v2 =	vld.msk [tilespmem:$0x28], $0xff;
	_ =	sdelay $0x4  }
0x63: {  	v3 =	vshll.u32 v2, $0x3  }
0x64: {  	v2 =	vand.u32 $0x7, v2;
	v3 =	vand.u32 $0xFFFFFFC0, v3  }
0x65: {  	v2 =	vor.u32 v2, v3  }
0x66: {  	v2 =	vperm.xlane v2, v0;
	_ =	sdelay $0x1  }
0x67: {  	v2 =	vadd.s32 v1, v2;
	_ =	sdelay $0x4  }
0x68: {  	[tilespmem:s0], [sflag:$0x6] =	stream.indirect_vreg.gather [hbm4b:s2+s3], $0x80, v2, vm0, $0xb8;
	[tilespmem:$0x10400] =	vst v63  }
0x69: {  	_ = 	snop  }
0x6a: {  	[tilespmem:s1], [sflag:$0x6] =	stream.indirect_vreg.gather [hbm4b:s5+s3], $0x80, v2, vm0, $0xb8;
	[tilespmem:$0x10400] =	vst v63  }
0x6b: {  	s25 =	simm.s32 $0xB400  }
0x6c: {  	[tilespmem:s25], [sflag:$0x6] =	stream.indirect_vreg.gather [hbm4b:s6+s3], $0x80, v2, vm0, $0xb8;
	[tilespmem:$0x10400] =	vst v63  }
0x6d: {  	s26 =	simm.s32 $0xBC00  }
0x6e: {  	[tilespmem:s26], [sflag:$0x6] =	stream.indirect_vreg.gather [hbm4b:s7+s3], $0x80, v2, vm0, $0xb8;
	[tilespmem:$0x10400] =	vst v63  }
0x6f: {  	v2 =	vld.msk [tilespmem:$0x30], $0xff;
	_ =	sdelay $0x4  }
0x70: {  	v3 =	vshll.u32 v2, $0x3  }
0x71: {  	v2 =	vand.u32 $0x7, v2;
	v3 =	vand.u32 $0xFFFFFFC0, v3  }
0x72: {  	v2 =	vor.u32 v2, v3  }
0x73: {  	v2 =	vperm.xlane v2, v0;
	_ =	sdelay $0x1  }
0x74: {  	v2 =	vadd.s32 v1, v2;
	_ =	sdelay $0x4  }
0x75: {  	[tilespmem:s4], [sflag:$0x7] =	stream.indirect_vreg.gather [hbm4b:s2+s3], $0x80, v2, vm0, $0xb8;
	[tilespmem:$0x10400] =	vst v63  }
0x76: {  	_ = 	snop  }
0x77: {  	[tilespmem:s9], [sflag:$0x7] =	stream.indirect_vreg.gather [hbm4b:s5+s3], $0x80, v2, vm0, $0xb8;
	[tilespmem:$0x10400] =	vst v63  }
0x78: {  	s28 =	simm.s32 $0xD400  }
0x79: {  	[tilespmem:s28], [sflag:$0x7] =	stream.indirect_vreg.gather [hbm4b:s6+s3], $0x80, v2, vm0, $0xb8;
	[tilespmem:$0x10400] =	vst v63  }
0x7a: {  	s29 =	simm.s32 $0xDC00  }
0x7b: {  	[tilespmem:s29], [sflag:$0x7] =	stream.indirect_vreg.gather [hbm4b:s7+s3], $0x80, v2, vm0, $0xb8;
	[tilespmem:$0x10400] =	vst v63  }
0x7c: {  	v2 =	vld.msk [tilespmem:$0x38], $0xff;
	_ =	sdelay $0x4  }
0x7d: {  	v3 =	vshll.u32 v2, $0x3  }
0x7e: {  	v2 =	vand.u32 $0x7, v2;
	v3 =	vand.u32 $0xFFFFFFC0, v3  }
0x7f: {  	v2 =	vor.u32 v2, v3  }
0x80: {  	v2 =	vperm.xlane v2, v0;
	_ =	sdelay $0x1  }
0x81: {  	v2 =	vadd.s32 v1, v2;
	_ =	sdelay $0x4  }
0x82: {  	[tilespmem:s10], [sflag:$0x8] =	stream.indirect_vreg.gather [hbm4b:s2+s3], $0x80, v2, vm0, $0xb8;
	[tilespmem:$0x10400] =	vst v63  }
0x83: {  	_ = 	snop  }
0x84: {  	[tilespmem:s11], [sflag:$0x8] =	stream.indirect_vreg.gather [hbm4b:s5+s3], $0x80, v2, vm0, $0xb8;
	[tilespmem:$0x10400] =	vst v63  }
0x85: {  	s31 =	simm.s32 $0xFC00;
	s13 =	simm.s32 $0x1;
	s30 =	simm.s32 $0xF400  }
0x86: {  	[tilespmem:s30], [sflag:$0x8] =	stream.indirect_vreg.gather [hbm4b:s6+s3], $0x80, v2, vm0, $0xb8;
	[tilespmem:$0x10400] =	vst v63  }
0x87: {  	s14 =	simm.s32 $0x2;
	s24 =	simm.s32 $0x78;
	s25 =	simm.s32 $0x0  }
0x88: {  	[tilespmem:s31], [sflag:$0x8] =	stream.indirect_vreg.gather [hbm4b:s7+s3], $0x80, v2, vm0, $0xb8;
	[tilespmem:$0x10400] =	vst v63  }
.LBB2_2:
0x89: {  	_ =	swait.ge [sflag:s13], $0x2000  }
0x8a: {  	s18 =	rddreg [dreg:$0x4];
	[sflag:s13] =	ssyncset.done $0x0  }
0x8b: {  	s26 =	simm.s32 $0x400;
	[sflag:s13] =	ssyncadd.s32 $0xFFFFE000;
	s18 =	sadd.s32 s25, s18  }
0x8c: {  	[hbm4b:s18+s3] =	stream.linear.scatter [tilespmem:s26], [sflag:$0x9], $0x2000, $0x38;
	[tilespmem:$0x10400] =	vst v63  }
0x8d: {  	_ =	swait.ge [sflag:s14], $0x2000  }
0x8e: {  	[sflag:s14] =	ssyncset.done $0x0  }
0x8f: {  	s31 =	simm.s32 $0x2400;
	s22 =	sadd.s32 $0x400, s18;
	[sflag:s14] =	ssyncadd.s32 $0xFFFFE000  }
0x90: {  	[hbm4b:s22+s3] =	stream.linear.scatter [tilespmem:s31], [sflag:$0xA], $0x2000, $0x38;
	[tilespmem:$0x10400] =	vst v63  }
0x91: {  	_ =	swait.ge [sflag:s15], $0x2000  }
0x92: {  	[sflag:s15] =	ssyncset.done $0x0  }
0x93: {  	s16 =	simm.s32 $0x4400;
	s4 =	sadd.s32 $0x800, s18;
	[sflag:s15] =	ssyncadd.s32 $0xFFFFE000  }
0x94: {  	[hbm4b:s4+s3] =	stream.linear.scatter [tilespmem:s16], [sflag:$0xB], $0x2000, $0x38;
	[tilespmem:$0x10400] =	vst v63  }
0x95: {  	_ =	swait.ge [sflag:s17], $0x2000  }
0x96: {  	[sflag:s17] =	ssyncset.done $0x0  }
0x97: {  	s28 =	simm.s32 $0x6400;
	s8 =	sadd.s32 $0xC00, s18;
	[sflag:s17] =	ssyncadd.s32 $0xFFFFE000  }
0x98: {  	[hbm4b:s8+s3] =	stream.linear.scatter [tilespmem:s28], [sflag:$0xC], $0x2000, $0x38;
	[tilespmem:$0x10400] =	vst v63  }
0x99: {  	_ =	swait.ge [sflag:s19], $0x2000  }
0x9a: {  	[sflag:s19] =	ssyncset.done $0x0  }
0x9b: {  	s30 =	simm.s32 $0x8400;
	s9 =	sadd.s32 $0x1000, s18;
	[sflag:s19] =	ssyncadd.s32 $0xFFFFE000  }
0x9c: {  	[hbm4b:s9+s3] =	stream.linear.scatter [tilespmem:s30], [sflag:$0xD], $0x2000, $0x38;
	[tilespmem:$0x10400] =	vst v63  }
0x9d: {  	_ =	swait.ge [sflag:s20], $0x2000  }
0x9e: {  	[sflag:s20] =	ssyncset.done $0x0  }
0x9f: {  	s1 =	simm.s32 $0xA400;
	s10 =	sadd.s32 $0x1400, s18;
	[sflag:s20] =	ssyncadd.s32 $0xFFFFE000  }
0xa0: {  	[hbm4b:s10+s3] =	stream.linear.scatter [tilespmem:s1], [sflag:$0xE], $0x2000, $0x38;
	[tilespmem:$0x10400] =	vst v63  }
0xa1: {  	_ =	swait.ge [sflag:s23], $0x2000  }
0xa2: {  	s0 =	simm.s32 $0x8;
	[sflag:s23] =	ssyncset.done $0x0  }
0xa3: {  	s11 =	sadd.s32 $0x1800, s18;
	s9 =	simm.s32 $0xC400;
	[sflag:s23] =	ssyncadd.s32 $0xFFFFE000  }
0xa4: {  	[hbm4b:s11+s3] =	stream.linear.scatter [tilespmem:s9], [sflag:$0xF], $0x2000, $0x38;
	[tilespmem:$0x10400] =	vst v63  }
0xa5: {  	_ =	swait.ge [sflag:s0], $0x2000  }
0xa6: {  	s12 =	simm.s32 $0x9;
	[sflag:s0] =	ssyncset.done $0x0  }
0xa7: {  	s18 =	sadd.s32 $0x1C00, s18;
	s11 =	simm.s32 $0xE400;
	[sflag:s0] =	ssyncadd.s32 $0xFFFFE000  }
0xa8: {  	[hbm4b:s18+s3] =	stream.linear.scatter [tilespmem:s11], [sflag:$0x10], $0x2000, $0x38;
	[tilespmem:$0x10400] =	vst v63  }
0xa9: {  	_ =	swait.ge [sflag:s12], $0x2000  }
0xaa: {  	[sflag:s12] =	ssyncset.done $0x0  }
0xab: {  	[sflag:s12] =	ssyncadd.s32 $0xFFFFE000  }
0xac: {  	v2 =	vld.msk [tilespmem:s24+$0xFFFFFFC8], $0xff;
	_ =	sdelay $0x4  }
0xad: {  	v3 =	vshll.u32 v2, $0x3  }
0xae: {  	v2 =	vand.u32 $0x7, v2;
	v3 =	vand.u32 $0xFFFFFFC0, v3  }
0xaf: {  	v2 =	vor.u32 v2, v3  }
0xb0: {  	v2 =	vperm.xlane v2, v0;
	_ =	sdelay $0x1  }
0xb1: {  	v2 =	vadd.s32 v1, v2;
	_ =	sdelay $0x4  }
0xb2: {  	[tilespmem:s26], [sflag:$0x1] =	stream.indirect_vreg.gather [hbm4b:s2+s3], $0x80, v2, vm0, $0xb8;
	[tilespmem:$0x10400] =	vst v63  }
0xb3: {  	s26 =	simm.s32 $0xC00  }
0xb4: {  	[tilespmem:s26], [sflag:$0x1] =	stream.indirect_vreg.gather [hbm4b:s5+s3], $0x80, v2, vm0, $0xb8;
	[tilespmem:$0x10400] =	vst v63  }
0xb5: {  	s18 =	simm.s32 $0x1400  }
0xb6: {  	[tilespmem:s18], [sflag:$0x1] =	stream.indirect_vreg.gather [hbm4b:s6+s3], $0x80, v2, vm0, $0xb8;
	[tilespmem:$0x10400] =	vst v63  }
0xb7: {  	s21 =	simm.s32 $0x1C00;
	s4 =	simm.s32 $0xA  }
0xb8: {  	[tilespmem:s21], [sflag:$0x1] =	stream.indirect_vreg.gather [hbm4b:s7+s3], $0x80, v2, vm0, $0xb8;
	[tilespmem:$0x10400] =	vst v63  }
0xb9: {  	_ =	swait.ge [sflag:s4], $0x2000  }
0xba: {  	[sflag:s4] =	ssyncset.done $0x0  }
0xbb: {  	[sflag:s4] =	ssyncadd.s32 $0xFFFFE000  }
0xbc: {  	v2 =	vld.msk [tilespmem:s24+$0xFFFFFFD0], $0xff;
	_ =	sdelay $0x4  }
0xbd: {  	v3 =	vshll.u32 v2, $0x3  }
0xbe: {  	v2 =	vand.u32 $0x7, v2;
	v3 =	vand.u32 $0xFFFFFFC0, v3  }
0xbf: {  	v2 =	vor.u32 v2, v3  }
0xc0: {  	v2 =	vperm.xlane v2, v0;
	_ =	sdelay $0x1  }
0xc1: {  	v2 =	vadd.s32 v1, v2;
	_ =	sdelay $0x4  }
0xc2: {  	[tilespmem:s31], [sflag:$0x2] =	stream.indirect_vreg.gather [hbm4b:s2+s3], $0x80, v2, vm0, $0xb8;
	[tilespmem:$0x10400] =	vst v63  }
0xc3: {  	s31 =	simm.s32 $0x2C00  }
0xc4: {  	[tilespmem:s31], [sflag:$0x2] =	stream.indirect_vreg.gather [hbm4b:s5+s3], $0x80, v2, vm0, $0xb8;
	[tilespmem:$0x10400] =	vst v63  }
0xc5: {  	s8 =	simm.s32 $0x3400  }
0xc6: {  	[tilespmem:s8], [sflag:$0x2] =	stream.indirect_vreg.gather [hbm4b:s6+s3], $0x80, v2, vm0, $0xb8;
	[tilespmem:$0x10400] =	vst v63  }
0xc7: {  	s10 =	simm.s32 $0x3C00;
	s18 =	simm.s32 $0xB  }
0xc8: {  	[tilespmem:s10], [sflag:$0x2] =	stream.indirect_vreg.gather [hbm4b:s7+s3], $0x80, v2, vm0, $0xb8;
	[tilespmem:$0x10400] =	vst v63  }
0xc9: {  	_ =	swait.ge [sflag:s18], $0x2000  }
0xca: {  	[sflag:s18] =	ssyncset.done $0x0  }
0xcb: {  	[sflag:s18] =	ssyncadd.s32 $0xFFFFE000  }
0xcc: {  	v2 =	vld.msk [tilespmem:s24+$0xFFFFFFD8], $0xff;
	_ =	sdelay $0x4  }
0xcd: {  	v3 =	vshll.u32 v2, $0x3  }
0xce: {  	v2 =	vand.u32 $0x7, v2;
	v3 =	vand.u32 $0xFFFFFFC0, v3  }
0xcf: {  	v2 =	vor.u32 v2, v3  }
0xd0: {  	v2 =	vperm.xlane v2, v0;
	_ =	sdelay $0x1  }
0xd1: {  	v2 =	vadd.s32 v1, v2;
	_ =	sdelay $0x4  }
0xd2: {  	[tilespmem:s16], [sflag:$0x3] =	stream.indirect_vreg.gather [hbm4b:s2+s3], $0x80, v2, vm0, $0xb8;
	[tilespmem:$0x10400] =	vst v63  }
0xd3: {  	s16 =	simm.s32 $0x4C00  }
0xd4: {  	[tilespmem:s16], [sflag:$0x3] =	stream.indirect_vreg.gather [hbm4b:s5+s3], $0x80, v2, vm0, $0xb8;
	[tilespmem:$0x10400] =	vst v63  }
0xd5: {  	s21 =	simm.s32 $0x5400  }
0xd6: {  	[tilespmem:s21], [sflag:$0x3] =	stream.indirect_vreg.gather [hbm4b:s6+s3], $0x80, v2, vm0, $0xb8;
	[tilespmem:$0x10400] =	vst v63  }
0xd7: {  	s4 =	simm.s32 $0x5C00;
	s10 =	simm.s32 $0xC  }
0xd8: {  	[tilespmem:s4], [sflag:$0x3] =	stream.indirect_vreg.gather [hbm4b:s7+s3], $0x80, v2, vm0, $0xb8;
	[tilespmem:$0x10400] =	vst v63  }
0xd9: {  	_ =	swait.ge [sflag:s10], $0x2000  }
0xda: {  	[sflag:s10] =	ssyncset.done $0x0  }
0xdb: {  	[sflag:s10] =	ssyncadd.s32 $0xFFFFE000  }
0xdc: {  	v2 =	vld.msk [tilespmem:s24+$0xFFFFFFE0], $0xff;
	_ =	sdelay $0x4  }
0xdd: {  	v3 =	vshll.u32 v2, $0x3  }
0xde: {  	v2 =	vand.u32 $0x7, v2;
	v3 =	vand.u32 $0xFFFFFFC0, v3  }
0xdf: {  	v2 =	vor.u32 v2, v3  }
0xe0: {  	v2 =	vperm.xlane v2, v0;
	_ =	sdelay $0x1  }
0xe1: {  	v2 =	vadd.s32 v1, v2;
	_ =	sdelay $0x4  }
0xe2: {  	[tilespmem:s28], [sflag:$0x4] =	stream.indirect_vreg.gather [hbm4b:s2+s3], $0x80, v2, vm0, $0xb8;
	[tilespmem:$0x10400] =	vst v63  }
0xe3: {  	s28 =	simm.s32 $0x6C00  }
0xe4: {  	[tilespmem:s28], [sflag:$0x4] =	stream.indirect_vreg.gather [hbm4b:s5+s3], $0x80, v2, vm0, $0xb8;
	[tilespmem:$0x10400] =	vst v63  }
0xe5: {  	s18 =	simm.s32 $0x7400  }
0xe6: {  	[tilespmem:s18], [sflag:$0x4] =	stream.indirect_vreg.gather [hbm4b:s6+s3], $0x80, v2, vm0, $0xb8;
	[tilespmem:$0x10400] =	vst v63  }
0xe7: {  	s4 =	simm.s32 $0x7C00;
	s10 =	simm.s32 $0xD  }
0xe8: {  	[tilespmem:s4], [sflag:$0x4] =	stream.indirect_vreg.gather [hbm4b:s7+s3], $0x80, v2, vm0, $0xb8;
	[tilespmem:$0x10400] =	vst v63  }
0xe9: {  	_ =	swait.ge [sflag:s10], $0x2000  }
0xea: {  	[sflag:s10] =	ssyncset.done $0x0  }
0xeb: {  	[sflag:s10] =	ssyncadd.s32 $0xFFFFE000  }
0xec: {  	v2 =	vld.msk [tilespmem:s24+$0xFFFFFFE8], $0xff;
	_ =	sdelay $0x4  }
0xed: {  	v3 =	vshll.u32 v2, $0x3  }
0xee: {  	v2 =	vand.u32 $0x7, v2;
	v3 =	vand.u32 $0xFFFFFFC0, v3  }
0xef: {  	v2 =	vor.u32 v2, v3  }
0xf0: {  	v2 =	vperm.xlane v2, v0;
	_ =	sdelay $0x1  }
0xf1: {  	v2 =	vadd.s32 v1, v2;
	_ =	sdelay $0x4  }
0xf2: {  	[tilespmem:s30], [sflag:$0x5] =	stream.indirect_vreg.gather [hbm4b:s2+s3], $0x80, v2, vm0, $0xb8;
	[tilespmem:$0x10400] =	vst v63  }
0xf3: {  	s30 =	simm.s32 $0x8C00  }
0xf4: {  	[tilespmem:s30], [sflag:$0x5] =	stream.indirect_vreg.gather [hbm4b:s5+s3], $0x80, v2, vm0, $0xb8;
	[tilespmem:$0x10400] =	vst v63  }
0xf5: {  	s18 =	simm.s32 $0x9400  }
0xf6: {  	[tilespmem:s18], [sflag:$0x5] =	stream.indirect_vreg.gather [hbm4b:s6+s3], $0x80, v2, vm0, $0xb8;
	[tilespmem:$0x10400] =	vst v63  }
0xf7: {  	s4 =	simm.s32 $0x9C00;
	s10 =	simm.s32 $0xE  }
0xf8: {  	[tilespmem:s4], [sflag:$0x5] =	stream.indirect_vreg.gather [hbm4b:s7+s3], $0x80, v2, vm0, $0xb8;
	[tilespmem:$0x10400] =	vst v63  }
0xf9: {  	_ =	swait.ge [sflag:s10], $0x2000  }
0xfa: {  	[sflag:s10] =	ssyncset.done $0x0  }
0xfb: {  	[sflag:s10] =	ssyncadd.s32 $0xFFFFE000  }
0xfc: {  	v2 =	vld.msk [tilespmem:s24+$0xFFFFFFF0], $0xff;
	_ =	sdelay $0x4  }
0xfd: {  	v3 =	vshll.u32 v2, $0x3  }
0xfe: {  	v2 =	vand.u32 $0x7, v2;
	v3 =	vand.u32 $0xFFFFFFC0, v3  }
0xff: {  	v2 =	vor.u32 v2, v3  }
0x100: {  	v2 =	vperm.xlane v2, v0;
	_ =	sdelay $0x1  }
0x101: {  	v2 =	vadd.s32 v1, v2;
	_ =	sdelay $0x4  }
0x102: {  	[tilespmem:s1], [sflag:$0x6] =	stream.indirect_vreg.gather [hbm4b:s2+s3], $0x80, v2, vm0, $0xb8;
	[tilespmem:$0x10400] =	vst v63  }
0x103: {  	s1 =	simm.s32 $0xAC00  }
0x104: {  	[tilespmem:s1], [sflag:$0x6] =	stream.indirect_vreg.gather [hbm4b:s5+s3], $0x80, v2, vm0, $0xb8;
	[tilespmem:$0x10400] =	vst v63  }
0x105: {  	s4 =	simm.s32 $0xB400  }
0x106: {  	[tilespmem:s4], [sflag:$0x6] =	stream.indirect_vreg.gather [hbm4b:s6+s3], $0x80, v2, vm0, $0xb8;
	[tilespmem:$0x10400] =	vst v63  }
0x107: {  	s18 =	simm.s32 $0xBC00;
	s10 =	simm.s32 $0xF  }
0x108: {  	[tilespmem:s18], [sflag:$0x6] =	stream.indirect_vreg.gather [hbm4b:s7+s3], $0x80, v2, vm0, $0xb8;
	[tilespmem:$0x10400] =	vst v63  }
0x109: {  	_ =	swait.ge [sflag:s10], $0x2000  }
0x10a: {  	[sflag:s10] =	ssyncset.done $0x0  }
0x10b: {  	[sflag:s10] =	ssyncadd.s32 $0xFFFFE000  }
0x10c: {  	v2 =	vld.msk [tilespmem:s24+$0xFFFFFFF8], $0xff;
	_ =	sdelay $0x4  }
0x10d: {  	v3 =	vshll.u32 v2, $0x3  }
0x10e: {  	v2 =	vand.u32 $0x7, v2;
	v3 =	vand.u32 $0xFFFFFFC0, v3  }
0x10f: {  	v2 =	vor.u32 v2, v3  }
0x110: {  	v2 =	vperm.xlane v2, v0;
	_ =	sdelay $0x1  }
0x111: {  	v2 =	vadd.s32 v1, v2;
	_ =	sdelay $0x4  }
0x112: {  	[tilespmem:s9], [sflag:$0x7] =	stream.indirect_vreg.gather [hbm4b:s2+s3], $0x80, v2, vm0, $0xb8;
	[tilespmem:$0x10400] =	vst v63  }
0x113: {  	s9 =	simm.s32 $0xCC00  }
0x114: {  	[tilespmem:s9], [sflag:$0x7] =	stream.indirect_vreg.gather [hbm4b:s5+s3], $0x80, v2, vm0, $0xb8;
	[tilespmem:$0x10400] =	vst v63  }
0x115: {  	s10 =	simm.s32 $0xD400  }
0x116: {  	[tilespmem:s10], [sflag:$0x7] =	stream.indirect_vreg.gather [hbm4b:s6+s3], $0x80, v2, vm0, $0xb8;
	[tilespmem:$0x10400] =	vst v63  }
0x117: {  	s18 =	simm.s32 $0xDC00  }
0x118: {  	[tilespmem:s18], [sflag:$0x7] =	stream.indirect_vreg.gather [hbm4b:s7+s3], $0x80, v2, vm0, $0xb8;
	[tilespmem:$0x10400] =	vst v63  }
0x119: {  	s18 =	simm.s32 $0x10  }
0x11a: {  	_ =	swait.ge [sflag:s18], $0x2000  }
0x11b: {  	[sflag:s18] =	ssyncset.done $0x0  }
0x11c: {  	[sflag:s18] =	ssyncadd.s32 $0xFFFFE000  }
0x11d: {  	v2 =	vld.msk [tilespmem:s24+$0x0], $0xff;
	_ =	sdelay $0x4  }
0x11e: {  	v3 =	vshll.u32 v2, $0x3  }
0x11f: {  	v2 =	vand.u32 $0x7, v2;
	v3 =	vand.u32 $0xFFFFFFC0, v3  }
0x120: {  	v2 =	vor.u32 v2, v3  }
0x121: {  	v2 =	vperm.xlane v2, v0;
	_ =	sdelay $0x1  }
0x122: {  	v2 =	vadd.s32 v1, v2;
	_ =	sdelay $0x3  }
0x123: {  	s29 =	simm.s32 $0x8400;
	p0 =	sne.s32 s25, $0x1C000;
	s25 =	sadd.s32 $0x2000, s25  }
0x124: {  	[tilespmem:s11], [sflag:$0x8] =	stream.indirect_vreg.gather [hbm4b:s2+s3], $0x80, v2, vm0, $0xb8;
	[tilespmem:$0x10400] =	vst v63  }
0x125: {  	s22 =	simm.s32 $0x400;
	s0 =	simm.s32 $0xA400;
	s11 =	simm.s32 $0xEC00  }
0x126: {  	[tilespmem:s11], [sflag:$0x8] =	stream.indirect_vreg.gather [hbm4b:s5+s3], $0x80, v2, vm0, $0xb8;
	[tilespmem:$0x10400] =	vst v63  }
.Ltmp0:
0x127: {  	s12 =	simm.s32 $0x2400;
	s8 =	simm.s32 $0x4400;
	(pc) =	sbr.rel @p0 .LBB2_2-.Ltmp0, $4  }
0x128: {  	s21 =	simm.s32 $0x6400;
	s4 =	simm.s32 $0xC400;
	s18 =	simm.s32 $0xF400  }
0x129: {  	[tilespmem:s18], [sflag:$0x8] =	stream.indirect_vreg.gather [hbm4b:s6+s3], $0x80, v2, vm0, $0xb8;
	[tilespmem:$0x10400] =	vst v63  }
0x12a: {  	s10 =	simm.s32 $0xE400;
	s24 =	sadd.s32 $0x40, s24;
	s18 =	simm.s32 $0xFC00  }
0x12b: {  	[tilespmem:s18], [sflag:$0x8] =	stream.indirect_vreg.gather [hbm4b:s7+s3], $0x80, v2, vm0, $0xb8;
	[tilespmem:$0x10400] =	vst v63  }
0x12c: {  	_ =	swait.ge [sflag:s13], $0x2000  }
0x12d: {  	[sflag:s13] =	ssyncset.done $0x0  }
0x12e: {  	s18 =	rddreg [dreg:$0x6];
	[sflag:s13] =	ssyncadd.s32 $0xFFFFE000  }
0x12f: {  	[hbm4b:s18+s3] =	stream.linear.scatter [tilespmem:s22], [sflag:$0x9], $0x2000, $0x38;
	[tilespmem:$0x10400] =	vst v63  }
0x130: {  	_ =	swait.ge [sflag:s14], $0x2000  }
0x131: {  	[sflag:s14] =	ssyncset.done $0x0  }
0x132: {  	s13 =	rddreg [dreg:$0x7];
	[sflag:s14] =	ssyncadd.s32 $0xFFFFE000  }
0x133: {  	[hbm4b:s13+s3] =	stream.linear.scatter [tilespmem:s12], [sflag:$0xA], $0x2000, $0x38;
	[tilespmem:$0x10400] =	vst v63  }
0x134: {  	_ =	swait.ge [sflag:s15], $0x2000  }
0x135: {  	[sflag:s15] =	ssyncset.done $0x0  }
0x136: {  	s14 =	rddreg [dreg:$0x8];
	[sflag:s15] =	ssyncadd.s32 $0xFFFFE000  }
0x137: {  	[hbm4b:s14+s3] =	stream.linear.scatter [tilespmem:s8], [sflag:$0xB], $0x2000, $0x38;
	[tilespmem:$0x10400] =	vst v63  }
0x138: {  	_ =	swait.ge [sflag:s17], $0x2000  }
0x139: {  	[sflag:s17] =	ssyncset.done $0x0  }
0x13a: {  	s24 =	rddreg [dreg:$0x9];
	[sflag:s17] =	ssyncadd.s32 $0xFFFFE000  }
0x13b: {  	[hbm4b:s24+s3] =	stream.linear.scatter [tilespmem:s21], [sflag:$0xC], $0x2000, $0x38;
	[tilespmem:$0x10400] =	vst v63  }
0x13c: {  	_ =	swait.ge [sflag:s19], $0x2000  }
0x13d: {  	[sflag:s19] =	ssyncset.done $0x0  }
0x13e: {  	s25 =	rddreg [dreg:$0xa];
	[sflag:s19] =	ssyncadd.s32 $0xFFFFE000  }
0x13f: {  	[hbm4b:s25+s3] =	stream.linear.scatter [tilespmem:s29], [sflag:$0xD], $0x2000, $0x38;
	[tilespmem:$0x10400] =	vst v63  }
0x140: {  	_ =	swait.ge [sflag:s20], $0x2000  }
0x141: {  	[sflag:s20] =	ssyncset.done $0x0  }
0x142: {  	s13 =	rddreg [dreg:$0xb];
	[sflag:s20] =	ssyncadd.s32 $0xFFFFE000  }
0x143: {  	[hbm4b:s13+s3] =	stream.linear.scatter [tilespmem:s0], [sflag:$0xE], $0x2000, $0x38;
	[tilespmem:$0x10400] =	vst v63  }
0x144: {  	_ =	swait.ge [sflag:s23], $0x2000  }
0x145: {  	[sflag:s23] =	ssyncset.done $0x0  }
0x146: {  	s18 =	simm.s32 $0x8;
	s14 =	rddreg [dreg:$0xc];
	[sflag:s23] =	ssyncadd.s32 $0xFFFFE000  }
0x147: {  	[hbm4b:s14+s3] =	stream.linear.scatter [tilespmem:s4], [sflag:$0xF], $0x2000, $0x38;
	[tilespmem:$0x10400] =	vst v63  }
0x148: {  	_ =	swait.ge [sflag:s18], $0x2000  }
0x149: {  	[sflag:s18] =	ssyncset.done $0x0  }
0x14a: {  	s25 =	simm.s32 $0x9;
	s24 =	rddreg [dreg:$0xd];
	[sflag:s18] =	ssyncadd.s32 $0xFFFFE000  }
0x14b: {  	[hbm4b:s24+s3] =	stream.linear.scatter [tilespmem:s10], [sflag:$0x10], $0x2000, $0x38;
	[tilespmem:$0x10400] =	vst v63  }
0x14c: {  	_ =	swait.ge [sflag:s25], $0x2000  }
0x14d: {  	[sflag:s25] =	ssyncset.done $0x0  }
0x14e: {  	s14 =	simm.s32 $0xA;
	[sflag:s25] =	ssyncadd.s32 $0xFFFFE000  }
0x14f: {  	_ =	swait.ge [sflag:s14], $0x2000  }
0x150: {  	[sflag:s14] =	ssyncset.done $0x0  }
0x151: {  	s18 =	simm.s32 $0xB;
	[sflag:s14] =	ssyncadd.s32 $0xFFFFE000  }
0x152: {  	_ =	swait.ge [sflag:s18], $0x2000  }
0x153: {  	[sflag:s18] =	ssyncset.done $0x0  }
0x154: {  	s24 =	simm.s32 $0xC;
	[sflag:s18] =	ssyncadd.s32 $0xFFFFE000  }
0x155: {  	_ =	swait.ge [sflag:s24], $0x2000  }
0x156: {  	[sflag:s24] =	ssyncset.done $0x0  }
0x157: {  	s25 =	simm.s32 $0xD;
	[sflag:s24] =	ssyncadd.s32 $0xFFFFE000  }
0x158: {  	_ =	swait.ge [sflag:s25], $0x2000  }
0x159: {  	[sflag:s25] =	ssyncset.done $0x0  }
0x15a: {  	s14 =	simm.s32 $0xE;
	[sflag:s25] =	ssyncadd.s32 $0xFFFFE000  }
0x15b: {  	_ =	swait.ge [sflag:s14], $0x2000  }
0x15c: {  	[sflag:s14] =	ssyncset.done $0x0  }
0x15d: {  	s18 =	simm.s32 $0xF;
	[sflag:s14] =	ssyncadd.s32 $0xFFFFE000  }
0x15e: {  	_ =	swait.ge [sflag:s18], $0x2000  }
0x15f: {  	[sflag:s18] =	ssyncset.done $0x0  }
0x160: {  	s14 =	simm.s32 $0x10;
	[sflag:s18] =	ssyncadd.s32 $0xFFFFE000  }
0x161: {  	_ =	swait.ge [sflag:s14], $0x2000  }
0x162: {  	s24 =	rddreg [dreg:$0xf]  }
0x163: {  	s25 =	rddreg [dreg:$0xe];
	s13 =	sadd.s32 $0x1, s24  }
0x164: {  	p0 =	sne.s32 s13, s25  }
.Ltmp1:
0x165: {  	_ = 	snop;
	(pc) =	sbr.rel @p0 .LBB2_1-.Ltmp1, $4  }
0x166: {  	_ = 	snop  }
0x167: {  	[sflag:s14] =	ssyncset.done $0x0  }
0x168: {  	[sflag:s14] =	ssyncadd.s32 $0xFFFFE000  }
0x169: {  	s24 =	simm.s32 $0x1400;
	s14 =	simm.s32 $0x3400;
	s25 =	simm.s32 $0x1C00  }
0x16a: {  	_ =	sfence.sel $0x180000  }
0x16b: {  	[bflag:$0x0] =	sbarrier.arrive $0xFFFF  }
0x16c: {  	_ =	strace $0x90000047  }
0x16d: {  	s0 =	stileid.u32;
	[bflag:$0x2] =	sbarrier.arrive $0xFFFF  }
0x16e: {  	p0 =	sne.s32 s0, $0x0;
	s0 =	rddreg [dreg:$0x3]  }
0x16f: {  	s0 =	sadd.s32 @!p0 $0x100000, s0  }
0x170: {  	[sflag:s0] =	ssyncadd.tile.s32 @!p0 $0x1;
	_ =	shalt  }
.Lfunc_end2:
_tile_overlayer_lowered:
.L_overlay_start_2:
0x171: {  	(tag) =	ssettag $0x2  }
0x172: {  	s0 =	rddreg [dreg:$0x0];
	s2 =	stileid.u32  }
0x173: {  	s1 =	rddreg [dreg:$0x1];
	p0 =	sne.s32 s2, $0x0  }
0x174: {  	s3 =	rddreg [dreg:$0x2];
	[bflag:$0x3] =	sbarrier.arrive $0xFFFF;
	s2 =	simm.s32 @!p0 $0x1C11  }
0x175: {  	[timem:s3], [sflag:s2] =	dma.local @!p0 [hbm:s0], s1  }
0x176: {  	s0 =	simm.s32 @!p0 $0x11  }
0x177: {  	_ =	swait.ge @!p0 [sflag:s0], s1  }
0x178: {  	s1 =	ssub.s32 @!p0 $0x0, s1;
	[sflag:s0] =	ssyncset.done @!p0 $0x0  }
0x179: {  	[sflag:s0] =	ssyncadd.s32 @!p0 s1  }
0x17a: {  	[bflag:$0x3] =	sbarrier.arrive $0xFFFF  }
0x17b: {  	_ =	shalt  }

</sc_bundles>
